<compile_context>
chip_gen: v7x
topology: tpu7x:2x2x1
jax: 0.10.2.dev20260603
libtpu: 0.0.44.dev20260713+nightly
codegen_flags: <defaults>
</compile_context>

<pallas_src>
import functools
import jax
import jax.numpy as jnp
from jax import lax
from jax.experimental import pallas as pl
from jax.experimental.pallas import tpu as pltpu
from jax.experimental.pallas import tpu_sc as plsc

MN = 1e-15
MC = 1e-06
BALL_EPS = 0.004


def _sc_gather(table, idx, K):
    M = idx.shape[0]
    C = table.shape[1]
    info = plsc.get_sparse_core_info()
    NC, NS = info.num_cores, info.num_subcores
    NW = NC * NS
    per_w = M // NW
    steps = per_w // K
    mesh = plsc.VectorSubcoreMesh(core_axis_name="c", subcore_axis_name="s")

    @functools.partial(
        pl.kernel, mesh=mesh,
        out_type=jax.ShapeDtypeStruct((M, C), jnp.float32),
        scratch_types=[
            pltpu.VMEM((K,), jnp.int32),
            pltpu.VMEM((K, C), jnp.float32),
            pltpu.SemaphoreType.DMA,
        ],
    )
    def gk(table_hbm, idx_hbm, out_hbm, idx_v, rows_v, sem):
        wid = lax.axis_index("s") * NC + lax.axis_index("c")
        base = wid * per_w

        def step(i, c):
            off = base + i * K
            pltpu.sync_copy(idx_hbm.at[pl.ds(off, K)], idx_v)
            pltpu.async_copy(table_hbm.at[idx_v], rows_v, sem).wait()
            pltpu.sync_copy(rows_v, out_hbm.at[pl.ds(off, K)])
            return c

        lax.fori_loop(0, steps, step, 0)

    return gk(table, idx)


def _sc_gather3(t0, i0, t1, i1, t2, i2, K):
    M = i0.shape[0]
    C = t0.shape[1]
    info = plsc.get_sparse_core_info()
    NC, NS = info.num_cores, info.num_subcores
    NW = NC * NS
    per_w = M // NW
    steps = per_w // K
    mesh = plsc.VectorSubcoreMesh(core_axis_name="c", subcore_axis_name="s")

    @functools.partial(
        pl.kernel, mesh=mesh,
        out_type=[jax.ShapeDtypeStruct((M, C), jnp.float32)] * 3,
        scratch_types=[
            pltpu.VMEM((K,), jnp.int32),
            pltpu.VMEM((K,), jnp.int32),
            pltpu.VMEM((K,), jnp.int32),
            pltpu.VMEM((K, C), jnp.float32),
            pltpu.VMEM((K, C), jnp.float32),
            pltpu.VMEM((K, C), jnp.float32),
            pltpu.SemaphoreType.DMA,
            pltpu.SemaphoreType.DMA,
            pltpu.SemaphoreType.DMA,
        ],
    )
    def gk(t0_h, i0_h, t1_h, i1_h, t2_h, i2_h, o0_h, o1_h, o2_h,
           x0, x1, x2, r0, r1, r2, s0, s1, s2):
        wid = lax.axis_index("s") * NC + lax.axis_index("c")
        base = wid * per_w

        def step(i, c):
            off = base + i * K
            pltpu.sync_copy(i0_h.at[pl.ds(off, K)], x0)
            d0 = pltpu.async_copy(t0_h.at[x0], r0, s0)
            pltpu.sync_copy(i1_h.at[pl.ds(off, K)], x1)
            d1 = pltpu.async_copy(t1_h.at[x1], r1, s1)
            pltpu.sync_copy(i2_h.at[pl.ds(off, K)], x2)
            d2 = pltpu.async_copy(t2_h.at[x2], r2, s2)
            d0.wait()
            pltpu.sync_copy(r0, o0_h.at[pl.ds(off, K)])
            d1.wait()
            pltpu.sync_copy(r1, o1_h.at[pl.ds(off, K)])
            d2.wait()
            pltpu.sync_copy(r2, o2_h.at[pl.ds(off, K)])
            return c

        lax.fori_loop(0, steps, step, 0)

    return gk(t0, i0, t1, i1, t2, i2)


def _sc_scatter_add(msg, obj, half, K):
    E, D = msg.shape
    info = plsc.get_sparse_core_info()
    NC, NS = info.num_cores, info.num_subcores
    per_s = E // NS
    steps = per_s // K
    AR = half + 128
    zrow = AR // NS
    drow = half // NS
    zeros = jnp.zeros((AR, D), jnp.float32)
    mesh = plsc.VectorSubcoreMesh(core_axis_name="c", subcore_axis_name="s")

    @functools.partial(
        pl.kernel, mesh=mesh,
        out_type=jax.ShapeDtypeStruct((NC * half, D), jnp.float32),
        scratch_types=[
            pltpu.VMEM((K,), jnp.int32),
            pltpu.VMEM((K, D), jnp.float32),
            pltpu.VMEM_SHARED((AR, D), jnp.float32),
        ],
    )
    def sk(msg_hbm, obj_hbm, z_hbm, out_hbm, idx_v, rows_v, acc):
        cid = lax.axis_index("c")
        sid = lax.axis_index("s")
        z0 = sid * zrow
        pltpu.sync_copy(z_hbm.at[pl.ds(z0, zrow)], acc.at[pl.ds(z0, zrow)])
        plsc.subcore_barrier()
        lo = cid * half
        base = sid * per_s

        def step(i, c):
            off = base + i * K
            pltpu.sync_copy(obj_hbm.at[pl.ds(off, K)], idx_v)
            pltpu.sync_copy(msg_hbm.at[pl.ds(off, K)], rows_v)

            def remap(j, c2):
                v = idx_v[pl.ds(j * 16, 16)]
                loc = v - lo
                ok = (loc >= 0) & (loc < half)
                idx_v[pl.ds(j * 16, 16)] = jnp.where(ok, loc, half)
                return c2

            lax.fori_loop(0, K // 16, remap, 0)
            pltpu.sync_copy(rows_v, acc.at[idx_v], add=True)
            return c

        lax.fori_loop(0, steps, step, 0)
        plsc.subcore_barrier()
        d0 = sid * drow
        pltpu.sync_copy(acc.at[pl.ds(d0, drow)],
                        out_hbm.at[pl.ds(cid * half + d0, drow)])

    return sk(msg, obj, zeros)


def _tc_message(HS, HR, QRW, Ws, Wr, WaT, Eb):
    E, D = HS.shape
    A = Ws.shape[1]
    sqc = float(MC) ** 0.5
    maxnorm = (1.0 - BALL_EPS) / sqc

    def body(hs_ref, hr_ref, qrw_ref, ws_ref, wr_ref, wat_ref, o_ref):
        hs = hs_ref[...]
        hr = hr_ref[...]
        pre = (jnp.dot(hs, ws_ref[...], preferred_element_type=jnp.float32)
               + jnp.dot(hr, wr_ref[...], preferred_element_type=jnp.float32)
               + qrw_ref[...])
        logit = jnp.sum(jnp.maximum(pre, 0.0) * wat_ref[...], axis=1,
                        keepdims=True)
        alpha = 1.0 / (1.0 + jnp.exp(-logit))

        def norm(x):
            return jnp.maximum(
                jnp.sqrt(jnp.sum(x * x, axis=-1, keepdims=True)), MN)

        def expmap0(u):
            un = norm(u)
            g = jnp.tanh(jnp.clip(sqc * un, -15.0, 15.0)) * u / (sqc * un)
            gn = norm(g)
            return jnp.where(gn > maxnorm, g / gn * maxnorm, g)

        hs_h = expmap0(hs)
        hr_h = expmap0(hr)
        x2 = jnp.sum(hs_h * hs_h, axis=-1, keepdims=True)
        y2 = jnp.sum(hr_h * hr_h, axis=-1, keepdims=True)
        xy = jnp.sum(hs_h * hr_h, axis=-1, keepdims=True)
        num = (1.0 + 2.0 * MC * xy + MC * y2) * hs_h + (1.0 - MC * x2) * hr_h
        den = 1.0 + 2.0 * MC * xy + MC * MC * x2 * y2
        z = num / jnp.maximum(den, MN)
        zn = norm(z)
        z = jnp.where(zn > maxnorm, z / zn * maxnorm, z)
        yn = norm(z)
        t = jnp.clip(sqc * yn, -1.0 + 1e-05, 1.0 - 1e-05)
        artanh = 0.5 * jnp.log((1.0 + t) / (1.0 - t))
        mess2 = z / yn / sqc * artanh
        o_ref[...] = mess2 * alpha

    grid = (E // Eb,)
    return pl.pallas_call(
        body,
        grid=grid,
        in_specs=[
            pl.BlockSpec((Eb, D), lambda i: (i, 0)),
            pl.BlockSpec((Eb, D), lambda i: (i, 0)),
            pl.BlockSpec((Eb, A), lambda i: (i, 0)),
            pl.BlockSpec((D, A), lambda i: (0, 0)),
            pl.BlockSpec((D, A), lambda i: (0, 0)),
            pl.BlockSpec((1, A), lambda i: (0, 0)),
        ],
        out_specs=pl.BlockSpec((Eb, D), lambda i: (i, 0)),
        out_shape=jax.ShapeDtypeStruct((E, D), jnp.float32),
    )(HS, HR, QRW, Ws, Wr, WaT)


def _tc_final(p, Wh):
    NP, D = p.shape

    def body(a_ref, w_ref, o_ref):
        o_ref[...] = jnp.dot(a_ref[...], w_ref[...],
                             preferred_element_type=jnp.float32)

    return pl.pallas_call(
        body,
        out_shape=jax.ShapeDtypeStruct((NP, D), jnp.float32),
    )(p, Wh)


def kernel(q_sub, q_rel, hidden, edges, n_node, old_nodes_new_idx,
           rela_embed, Ws, Wr, Wqr, bqr, Wa, Wh):
    N, D = hidden.shape
    E = edges.shape[0]
    A = Ws.shape[1]
    sub = edges[:, 4].astype(jnp.int32)
    rel = edges[:, 2].astype(jnp.int32)
    obj = edges[:, 5].astype(jnp.int32)
    ridx = edges[:, 0].astype(jnp.int32)

    Ap = 128
    pad = Ap - A
    qtabW = jnp.pad(rela_embed @ Wqr + bqr[None, :], ((0, 0), (0, pad)))
    Ws_p = jnp.pad(Ws, ((0, 0), (0, pad)))
    Wr_p = jnp.pad(Wr, ((0, 0), (0, pad)))
    WaT_p = jnp.pad(Wa.reshape(1, A), ((0, 0), (0, pad)))
    qsel = _sc_gather(qtabW, q_rel.astype(jnp.int32), K=32)
    QRW, HS, HR = _sc_gather3(qsel, ridx, hidden, sub,
                              rela_embed, rel, K=200)

    msg = _tc_message(HS, HR, QRW, Ws_p, Wr_p, WaT_p, Eb=2560)

    parts = _sc_scatter_add(msg, obj, half=5120, K=400)
    out = _tc_final(parts, Wh)
    return out[:N]

# --- scband reference (transcript-rebuilt; emitter-appended) ---
"""Pipeline reference for scband-gnnlayer-61692910239941 (READ-ONLY COPY).

The authoritative reference and input builder live on the scoring server;
editing this copy changes nothing except your own understanding.
"""

import jax, jax.numpy as jnp
import numpy as np

MIN_NORM = 1e-15
MIN_CURVATURE = 1e-06
BALL_EPS_F32 = 0.004

def _tanh(x):
    return jnp.tanh(jnp.clip(x, -15.0, 15.0))

def _artanh(x):
    x = jnp.clip(x, -1.0 + 1e-05, 1.0 - 1e-05)
    x64 = x.astype(jnp.float64) if jax.config.jax_enable_x64 else x
    return (0.5 * (jnp.log1p(x64) - jnp.log1p(-x64))).astype(x.dtype)

def _project(x, c):
    c = jnp.maximum(c, MIN_CURVATURE)
    norm = jnp.maximum(jnp.linalg.norm(x, axis=-1, keepdims=True), MIN_NORM)
    maxnorm = (1.0 - BALL_EPS_F32) / jnp.sqrt(c)
    return jnp.where(norm > maxnorm, x / norm * maxnorm, x)

def _expmap0(u, c):
    c = jnp.maximum(c, MIN_CURVATURE)
    sqrt_c = jnp.sqrt(c)
    u_norm = jnp.maximum(jnp.linalg.norm(u, axis=-1, keepdims=True), MIN_NORM)
    gamma_1 = _tanh(sqrt_c * u_norm) * u / (sqrt_c * u_norm)
    return _project(gamma_1, c)

def _logmap0(y, c):
    c = jnp.maximum(c, MIN_CURVATURE)
    sqrt_c = jnp.sqrt(c)
    y_norm = jnp.maximum(jnp.linalg.norm(y, axis=-1, keepdims=True), MIN_NORM)
    return y / y_norm / sqrt_c * _artanh(sqrt_c * y_norm)

def _mobius_add(x, y, c):
    c = jnp.maximum(c, MIN_CURVATURE)
    x2 = jnp.sum(x * x, axis=-1, keepdims=True)
    y2 = jnp.sum(y * y, axis=-1, keepdims=True)
    xy = jnp.sum(x * y, axis=-1, keepdims=True)
    num = (1 + 2 * c * xy + c * y2) * x + (1 - c * x2) * y
    denom = 1 + 2 * c * xy + c ** 2 * x2 * y2
    return num / jnp.maximum(denom, MIN_NORM)

def setup_inputs(seed: int = 0) -> dict:
    key = jax.random.key(seed)
    ks = jax.random.split(key, 14)
    B, E, N, D, A, R = 1024, 320000, 10000, 128, 64, 200
    V = 2 * R + 1
    q_sub = jax.random.randint(ks[0], (B,), 0, N)
    q_rel = jax.random.randint(ks[1], (B,), 0, V)
    hidden = jax.random.normal(ks[2], (N, D), dtype=jnp.float32)
    col0 = jax.random.randint(ks[3], (E, 1), 0, B)
    col2 = jax.random.randint(ks[4], (E, 1), 0, V)
    col4 = jax.random.randint(ks[5], (E, 1), 0, N)
    col5 = jax.random.randint(ks[6], (E, 1), 0, N)
    zcol = jnp.zeros((E, 1), dtype=col0.dtype)
    edges = jnp.concatenate([col0, zcol, col2, zcol, col4, col5], axis=1)
    old_nodes_new_idx = jax.random.randint(ks[7], (5000,), 0, N)
    rela_embed = jax.random.normal(ks[8], (V, D), dtype=jnp.float32)
    Ws = jax.random.normal(ks[9], (D, A), dtype=jnp.float32) * 0.05
    Wr = jax.random.normal(ks[10], (D, A), dtype=jnp.float32) * 0.05
    Wqr = jax.random.normal(ks[11], (D, A), dtype=jnp.float32) * 0.05
    bqr = jnp.zeros((A,), dtype=jnp.float32)
    Wa = jax.random.normal(ks[12], (A, 1), dtype=jnp.float32) * 0.05
    Wh = jax.random.normal(ks[13], (D, D), dtype=jnp.float32) * 0.05
    return {"q_sub": q_sub, "q_rel": q_rel, "hidden": hidden, "edges": edges,
            "n_node": N, "old_nodes_new_idx": old_nodes_new_idx,
            "rela_embed": rela_embed, "Ws": Ws, "Wr": Wr, "Wqr": Wqr,
            "bqr": bqr, "Wa": Wa, "Wh": Wh}

def reference(q_sub, q_rel, hidden, edges, n_node, old_nodes_new_idx,
              rela_embed, Ws, Wr, Wqr, bqr, Wa, Wh):
    c = jnp.asarray(MIN_CURVATURE, dtype=jnp.float32)
    sub = edges[:, 4]
    rel = edges[:, 2]
    obj = edges[:, 5]
    r_idx = edges[:, 0]
    hs = hidden[sub]
    hr = rela_embed[rel]
    h_qr = rela_embed[q_rel][r_idx]
    pre = hs @ Ws + hr @ Wr + (h_qr @ Wqr + bqr)
    alpha_2 = jax.nn.sigmoid(jax.nn.relu(pre) @ Wa)
    hr_h = _expmap0(hr, c)
    hs_h = _expmap0(hs, c)
    _ = _expmap0(h_qr, c)
    mess2 = _logmap0(_project(_mobius_add(hs_h, hr_h, c), c), c)
    message = mess2 * alpha_2
    num_segments = hidden.shape[0]
    message_agg = jax.ops.segment_sum(message, obj, num_segments=num_segments)
    hidden_new = message_agg @ Wh
    hidden_new = hidden_new + 0.0 * jnp.asarray(n_node, dtype=hidden_new.dtype)
    return hidden_new

if __name__ == "__main__":
    import jax
    _d = setup_inputs()
    print(jax.jit(kernel)(*tuple(_d.values())))

</pallas_src>

<mosaic_0001>
#map = affine_map<(d0, d1) -> (0, 0)>
#map1 = affine_map<(d0, d1) -> (0)>
module attributes {stable_mosaic.version = 14 : i64} {
  func.func @gk(%arg0: i32, %arg1: i32, %arg2: memref<401x128xf32, #tpu.memory_space<hbm>>, %arg3: memref<1024xi32, #tpu.memory_space<hbm>>, %arg4: memref<1024x128xf32, #tpu.memory_space<hbm>>, %arg5: memref<32xi32, #tpu.memory_space<vmem>>, %arg6: memref<32x128xf32, #tpu.memory_space<vmem>>, %arg7: memref<!tpu.dma_semaphore, #tpu.memory_space<semaphore_mem>>) attributes {dimension_semantics = [#tpu.dimension_semantics<core_parallel>, #tpu.dimension_semantics<subcore_parallel>], iteration_bounds = array<i64: 2, 16>, scalar_prefetch = 0 : i64, scratch_operands = 3 : i64, tpu.core_type = #tpu.core_type<sc_vector_subcore>, window_params = [{transform_indices = #map}, {transform_indices = #map1}, {transform_indices = #map}]} {
    %mul3A = arith.constant 2 : i32
    %mul3A_0 = arith.muli %arg1, %mul3A : i32
    %add3A = arith.addi %mul3A_0, %arg0 : i32
    %mul3A_1 = arith.constant 32 : i32
    %mul3A_2 = arith.muli %add3A, %mul3A_1 : i32
    %scan3A = arith.constant 0 : i32
    %scan3A_3 = arith.constant 0 : i32
    %mul3A_4 = arith.constant 32 : i32
    %mul3A_5 = arith.muli %scan3A_3, %mul3A_4 : i32
    %add3A_6 = arith.addi %mul3A_2, %mul3A_5 : i32
    "tpu.region"() ({
      %run_scoped3A = tpu.sem_alloc : memref<!tpu.dma_semaphore, #tpu.memory_space<semaphore_mem>>
      %dma_start3A_12 = tpu.memref_slice %arg3[%add3A_6] : memref<1024xi32, #tpu.memory_space<hbm>> -> memref<32xi32, #tpu.memory_space<hbm>>
      %dma_start3A_13 = tpu.memref_slice %arg3[%add3A_6] : memref<1024xi32, #tpu.memory_space<hbm>> -> memref<32xi32, #tpu.memory_space<hbm>>
      tpu.enqueue_dma source(%dma_start3A_13 : memref<32xi32, #tpu.memory_space<hbm>>) target(%arg5 : memref<32xi32, #tpu.memory_space<vmem>>) target_semaphore(%run_scoped3A : memref<!tpu.dma_semaphore, #tpu.memory_space<semaphore_mem>>)
      %dma_wait3A_14 = tpu.memref_slice %arg3[%add3A_6] : memref<1024xi32, #tpu.memory_space<hbm>> -> memref<32xi32, #tpu.memory_space<hbm>>
      %dma_wait3A_15 = tpu.memref_slice %arg3[%add3A_6] : memref<1024xi32, #tpu.memory_space<hbm>> -> memref<32xi32, #tpu.memory_space<hbm>>
      tpu.wait_dma2 semaphore(%run_scoped3A : memref<!tpu.dma_semaphore, #tpu.memory_space<semaphore_mem>>) src(%dma_wait3A_15 : memref<32xi32, #tpu.memory_space<hbm>>) dst(%arg5 : memref<32xi32, #tpu.memory_space<vmem>>)
      tpu.yield
    }) : () -> ()
    %dma_start3A = arith.constant 0 : i32
    %dma_start3A_7 = arith.constant 0 : i32
    %dma_start3A_8 = tpu.memref_slice %arg2[%dma_start3A, %dma_start3A_7] : memref<401x128xf32, #tpu.memory_space<hbm>> -> memref<401x128xf32, #tpu.memory_space<hbm>>
    tpu.enqueue_indirect_dma source(%dma_start3A_8 : memref<401x128xf32, #tpu.memory_space<hbm>>) target(%arg6 : memref<32x128xf32, #tpu.memory_space<vmem>>) offsets(%arg5 : memref<32xi32, #tpu.memory_space<vmem>>) semaphore(%arg7 : memref<!tpu.dma_semaphore, #tpu.memory_space<semaphore_mem>>)
    %dma_wait3A = arith.constant 0 : i32
    %dma_wait3A_9 = arith.constant 0 : i32
    %dma_wait3A_10 = tpu.memref_slice %arg2[%dma_wait3A, %dma_wait3A_9] : memref<401x128xf32, #tpu.memory_space<hbm>> -> memref<401x128xf32, #tpu.memory_space<hbm>>
    tpu.wait_indirect_dma semaphore(%arg7 : memref<!tpu.dma_semaphore, #tpu.memory_space<semaphore_mem>>) src(%dma_wait3A_10 : memref<401x128xf32, #tpu.memory_space<hbm>>) dst(%arg6 : memref<32x128xf32, #tpu.memory_space<vmem>>)
    "tpu.region"() ({
      %run_scoped3A = tpu.sem_alloc : memref<!tpu.dma_semaphore, #tpu.memory_space<semaphore_mem>>
      %dma_start3A_12 = arith.constant 0 : i32
      %dma_start3A_13 = tpu.memref_slice %arg4[%add3A_6, %dma_start3A_12] : memref<1024x128xf32, #tpu.memory_space<hbm>> -> memref<32x128xf32, #tpu.memory_space<hbm>>
      %dma_start3A_14 = arith.constant 0 : i32
      %dma_start3A_15 = tpu.memref_slice %arg4[%add3A_6, %dma_start3A_14] : memref<1024x128xf32, #tpu.memory_space<hbm>> -> memref<32x128xf32, #tpu.memory_space<hbm>>
      tpu.enqueue_dma source(%arg6 : memref<32x128xf32, #tpu.memory_space<vmem>>) target(%dma_start3A_15 : memref<32x128xf32, #tpu.memory_space<hbm>>) target_semaphore(%run_scoped3A : memref<!tpu.dma_semaphore, #tpu.memory_space<semaphore_mem>>)
      %dma_wait3A_16 = arith.constant 0 : i32
      %dma_wait3A_17 = tpu.memref_slice %arg4[%add3A_6, %dma_wait3A_16] : memref<1024x128xf32, #tpu.memory_space<hbm>> -> memref<32x128xf32, #tpu.memory_space<hbm>>
      %dma_wait3A_18 = arith.constant 0 : i32
      %dma_wait3A_19 = tpu.memref_slice %arg4[%add3A_6, %dma_wait3A_18] : memref<1024x128xf32, #tpu.memory_space<hbm>> -> memref<32x128xf32, #tpu.memory_space<hbm>>
      tpu.wait_dma2 semaphore(%run_scoped3A : memref<!tpu.dma_semaphore, #tpu.memory_space<semaphore_mem>>) src(%arg6 : memref<32x128xf32, #tpu.memory_space<vmem>>) dst(%dma_wait3A_19 : memref<32x128xf32, #tpu.memory_space<hbm>>)
      tpu.yield
    }) : () -> ()
    %scan3A_11 = arith.constant 1 : i32
    return
  }
}

#map = affine_map<(d0, d1) -> (0, 0)>
#map1 = affine_map<(d0, d1) -> (0)>
module attributes {stable_mosaic.version = 14 : i64} {
  func.func @sk(%arg0: i32, %arg1: i32, %arg2: memref<320000x128xf32, #tpu.memory_space<hbm>>, %arg3: memref<320000xi32, #tpu.memory_space<hbm>>, %arg4: memref<5248x128xf32, #tpu.memory_space<hbm>>, %arg5: memref<10240x128xf32, #tpu.memory_space<hbm>>, %arg6: memref<400xi32, #tpu.memory_space<vmem>>, %arg7: memref<400x128xf32, #tpu.memory_space<vmem>>, %arg8: memref<5248x128xf32, #tpu.memory_space<vmem_shared>>) attributes {dimension_semantics = [#tpu.dimension_semantics<core_parallel>, #tpu.dimension_semantics<subcore_parallel>], iteration_bounds = array<i64: 2, 16>, scalar_prefetch = 0 : i64, scratch_operands = 3 : i64, tpu.core_type = #tpu.core_type<sc_vector_subcore>, window_params = [{transform_indices = #map}, {transform_indices = #map1}, {transform_indices = #map}, {transform_indices = #map}]} {
    %mul3A = arith.constant 328 : i32
    %mul3A_0 = arith.muli %arg1, %mul3A : i32
    "tpu.region"() ({
      %run_scoped3A = tpu.sem_alloc : memref<!tpu.dma_semaphore, #tpu.memory_space<semaphore_mem>>
      %dma_start3A = arith.constant 0 : i32
      %dma_start3A_15 = tpu.memref_slice %arg8[%mul3A_0, %dma_start3A] : memref<5248x128xf32, #tpu.memory_space<vmem_shared>> -> memref<328x128xf32, #tpu.memory_space<vmem_shared>>
      %dma_start3A_16 = arith.constant 0 : i32
      %dma_start3A_17 = tpu.memref_slice %arg4[%mul3A_0, %dma_start3A_16] : memref<5248x128xf32, #tpu.memory_space<hbm>> -> memref<328x128xf32, #tpu.memory_space<hbm>>
      tpu.enqueue_dma source(%dma_start3A_17 : memref<328x128xf32, #tpu.memory_space<hbm>>) target(%dma_start3A_15 : memref<328x128xf32, #tpu.memory_space<vmem_shared>>) target_semaphore(%run_scoped3A : memref<!tpu.dma_semaphore, #tpu.memory_space<semaphore_mem>>)
      %dma_wait3A = arith.constant 0 : i32
      %dma_wait3A_18 = tpu.memref_slice %arg8[%mul3A_0, %dma_wait3A] : memref<5248x128xf32, #tpu.memory_space<vmem_shared>> -> memref<328x128xf32, #tpu.memory_space<vmem_shared>>
      %dma_wait3A_19 = arith.constant 0 : i32
      %dma_wait3A_20 = tpu.memref_slice %arg4[%mul3A_0, %dma_wait3A_19] : memref<5248x128xf32, #tpu.memory_space<hbm>> -> memref<328x128xf32, #tpu.memory_space<hbm>>
      tpu.wait_dma2 semaphore(%run_scoped3A : memref<!tpu.dma_semaphore, #tpu.memory_space<semaphore_mem>>) src(%dma_wait3A_20 : memref<328x128xf32, #tpu.memory_space<hbm>>) dst(%dma_wait3A_18 : memref<328x128xf32, #tpu.memory_space<vmem_shared>>)
      tpu.yield
    }) : () -> ()
    %barrier3A = arith.constant 0 : index
    tpu.barrier barrier_id(%barrier3A)
    %mul3A_1 = arith.constant 5120 : i32
    %mul3A_2 = arith.muli %arg0, %mul3A_1 : i32
    %mul3A_3 = arith.constant 20000 : i32
    %mul3A_4 = arith.muli %arg1, %mul3A_3 : i32
    %scan3A = arith.constant 0 : i32
    %scan3A_5 = arith.constant 0 : i32
    %scan3A_6 = arith.constant 50 : i32
    %scan3A_7 = arith.addi %scan3A_5, %scan3A_6 : i32
    %scan3A_8 = arith.constant 1 : i32
    scf.for %scan3A_15 = %scan3A_5 to %scan3A_7 step %scan3A_8  : i32 {
      %mul3A_16 = arith.constant 400 : i32
      %mul3A_17 = arith.muli %scan3A_15, %mul3A_16 : i32
      %add3A_18 = arith.addi %mul3A_4, %mul3A_17 : i32
      "tpu.region"() ({
        %run_scoped3A = tpu.sem_alloc : memref<!tpu.dma_semaphore, #tpu.memory_space<semaphore_mem>>
        %dma_start3A = tpu.memref_slice %arg3[%add3A_18] : memref<320000xi32, #tpu.memory_space<hbm>> -> memref<400xi32, #tpu.memory_space<hbm>>
        %dma_start3A_25 = tpu.memref_slice %arg3[%add3A_18] : memref<320000xi32, #tpu.memory_space<hbm>> -> memref<400xi32, #tpu.memory_space<hbm>>
        tpu.enqueue_dma source(%dma_start3A_25 : memref<400xi32, #tpu.memory_space<hbm>>) target(%arg6 : memref<400xi32, #tpu.memory_space<vmem>>) target_semaphore(%run_scoped3A : memref<!tpu.dma_semaphore, #tpu.memory_space<semaphore_mem>>)
        %dma_wait3A = tpu.memref_slice %arg3[%add3A_18] : memref<320000xi32, #tpu.memory_space<hbm>> -> memref<400xi32, #tpu.memory_space<hbm>>
        %dma_wait3A_26 = tpu.memref_slice %arg3[%add3A_18] : memref<320000xi32, #tpu.memory_space<hbm>> -> memref<400xi32, #tpu.memory_space<hbm>>
        tpu.wait_dma2 semaphore(%run_scoped3A : memref<!tpu.dma_semaphore, #tpu.memory_space<semaphore_mem>>) src(%dma_wait3A_26 : memref<400xi32, #tpu.memory_space<hbm>>) dst(%arg6 : memref<400xi32, #tpu.memory_space<vmem>>)
        tpu.yield
      }) : () -> ()
      "tpu.region"() ({
        %run_scoped3A = tpu.sem_alloc : memref<!tpu.dma_semaphore, #tpu.memory_space<semaphore_mem>>
        %dma_start3A = arith.constant 0 : i32
        %dma_start3A_25 = tpu.memref_slice %arg2[%add3A_18, %dma_start3A] : memref<320000x128xf32, #tpu.memory_space<hbm>> -> memref<400x128xf32, #tpu.memory_space<hbm>>
        %dma_start3A_26 = arith.constant 0 : i32
        %dma_start3A_27 = tpu.memref_slice %arg2[%add3A_18, %dma_start3A_26] : memref<320000x128xf32, #tpu.memory_space<hbm>> -> memref<400x128xf32, #tpu.memory_space<hbm>>
        tpu.enqueue_dma source(%dma_start3A_27 : memref<400x128xf32, #tpu.memory_space<hbm>>) target(%arg7 : memref<400x128xf32, #tpu.memory_space<vmem>>) target_semaphore(%run_scoped3A : memref<!tpu.dma_semaphore, #tpu.memory_space<semaphore_mem>>)
        %dma_wait3A = arith.constant 0 : i32
        %dma_wait3A_28 = tpu.memref_slice %arg2[%add3A_18, %dma_wait3A] : memref<320000x128xf32, #tpu.memory_space<hbm>> -> memref<400x128xf32, #tpu.memory_space<hbm>>
        %dma_wait3A_29 = arith.constant 0 : i32
        %dma_wait3A_30 = tpu.memref_slice %arg2[%add3A_18, %dma_wait3A_29] : memref<320000x128xf32, #tpu.memory_space<hbm>> -> memref<400x128xf32, #tpu.memory_space<hbm>>
        tpu.wait_dma2 semaphore(%run_scoped3A : memref<!tpu.dma_semaphore, #tpu.memory_space<semaphore_mem>>) src(%dma_wait3A_30 : memref<400x128xf32, #tpu.memory_space<hbm>>) dst(%arg7 : memref<400x128xf32, #tpu.memory_space<vmem>>)
        tpu.yield
      }) : () -> ()
      %scan3A_19 = arith.constant 0 : i32
      %scan3A_20 = arith.constant 0 : i32
      %scan3A_21 = arith.constant 25 : i32
      %scan3A_22 = arith.addi %scan3A_20, %scan3A_21 : i32
      %scan3A_23 = arith.constant 1 : i32
      scf.for %scan3A_25 = %scan3A_20 to %scan3A_22 step %scan3A_23  : i32 {
        %mul3A_26 = arith.constant 16 : i32
        %mul3A_27 = arith.muli %scan3A_25, %mul3A_26 : i32
        %get3A = arith.index_cast %mul3A_27 : i32 to index
        %get3A_28 = tpu.vector_load %arg6[%get3A] {strides = array<i32>} : memref<400xi32, #tpu.memory_space<vmem>>, vector<16xi32>,
        %get3A_29 = vector.shape_cast %get3A_28 : vector<16xi32> to vector<16xi32>
        %sub3A = vector.broadcast %mul3A_2 : i32 to vector<16xi32>
        %sub3A_30 = arith.subi %get3A_29, %sub3A : vector<16xi32>
        %ge3A = arith.constant 0 : i32
        %ge3A_31 = vector.broadcast %ge3A : i32 to vector<16xi32>
        %ge3A_32 = arith.cmpi sge, %sub3A_30, %ge3A_31 : vector<16xi32>
        %lt3A = arith.constant 5120 : i32
        %lt3A_33 = vector.broadcast %lt3A : i32 to vector<16xi32>
        %lt3A_34 = arith.cmpi slt, %sub3A_30, %lt3A_33 : vector<16xi32>
        %and3A = arith.andi %ge3A_32, %lt3A_34 : vector<16xi1>
        %jit3A = arith.constant 5120 : i32
        %broadcast_in_dim3A = vector.broadcast %jit3A : i32 to vector<16xi32>
        %select_n3A = arith.select %and3A, %sub3A_30, %broadcast_in_dim3A : vector<16xi1>, vector<16xi32>
        %mul3A_35 = arith.constant 16 : i32
        %mul3A_36 = arith.muli %scan3A_25, %mul3A_35 : i32
        %swap3A = arith.index_cast %mul3A_36 : i32 to index
        %swap3A_37 = tpu.vector_load %arg6[%swap3A] {strides = array<i32>} : memref<400xi32, #tpu.memory_space<vmem>>, vector<16xi32>,
        %swap3A_38 = vector.shape_cast %swap3A_37 : vector<16xi32> to vector<16xi32>
        %swap3A_39 = vector.shape_cast %select_n3A : vector<16xi32> to vector<16xi32>
        tpu.vector_store %arg6[%swap3A], %swap3A_39 {strides = array<i32>} : memref<400xi32, #tpu.memory_space<vmem>>, vector<16xi32>,
      }
      %scan3A_24 = arith.constant 25 : i32
      "tpu.region"() ({
        %run_scoped3A = tpu.sem_alloc : memref<!tpu.dma_semaphore, #tpu.memory_space<semaphore_mem>>
        %dma_start3A = arith.constant 0 : i32
        %dma_start3A_25 = arith.constant 0 : i32
        %dma_start3A_26 = tpu.memref_slice %arg8[%dma_start3A, %dma_start3A_25] : memref<5248x128xf32, #tpu.memory_space<vmem_shared>> -> memref<5248x128xf32, #tpu.memory_space<vmem_shared>>
        tpu.enqueue_indirect_dma source(%arg7 : memref<400x128xf32, #tpu.memory_space<vmem>>) target(%dma_start3A_26 : memref<5248x128xf32, #tpu.memory_space<vmem_shared>>) offsets(%arg6 : memref<400xi32, #tpu.memory_space<vmem>>) semaphore(%run_scoped3A : memref<!tpu.dma_semaphore, #tpu.memory_space<semaphore_mem>>) {add = true}
        %dma_wait3A = arith.constant 0 : i32
        %dma_wait3A_27 = arith.constant 0 : i32
        %dma_wait3A_28 = tpu.memref_slice %arg8[%dma_wait3A, %dma_wait3A_27] : memref<5248x128xf32, #tpu.memory_space<vmem_shared>> -> memref<5248x128xf32, #tpu.memory_space<vmem_shared>>
        tpu.wait_indirect_dma semaphore(%run_scoped3A : memref<!tpu.dma_semaphore, #tpu.memory_space<semaphore_mem>>) src(%arg7 : memref<400x128xf32, #tpu.memory_space<vmem>>) dst(%dma_wait3A_28 : memref<5248x128xf32, #tpu.memory_space<vmem_shared>>)
        tpu.yield
      }) : () -> ()
    }
    %scan3A_9 = arith.constant 50 : i32
    %barrier3A_10 = arith.constant 0 : index
    tpu.barrier barrier_id(%barrier3A_10)
    %mul3A_11 = arith.constant 320 : i32
    %mul3A_12 = arith.muli %arg1, %mul3A_11 : i32
    %mul3A_13 = arith.constant 5120 : i32
    %mul3A_14 = arith.muli %arg0, %mul3A_13 : i32
    %add3A = arith.addi %mul3A_14, %mul3A_12 : i32
    "tpu.region"() ({
      %run_scoped3A = tpu.sem_alloc : memref<!tpu.dma_semaphore, #tpu.memory_space<semaphore_mem>>
      %dma_start3A = arith.constant 0 : i32
      %dma_start3A_15 = tpu.memref_slice %arg5[%add3A, %dma_start3A] : memref<10240x128xf32, #tpu.memory_space<hbm>> -> memref<320x128xf32, #tpu.memory_space<hbm>>
      %dma_start3A_16 = arith.constant 0 : i32
      %dma_start3A_17 = tpu.memref_slice %arg8[%mul3A_12, %dma_start3A_16] : memref<5248x128xf32, #tpu.memory_space<vmem_shared>> -> memref<320x128xf32, #tpu.memory_space<vmem_shared>>
      tpu.enqueue_dma source(%dma_start3A_17 : memref<320x128xf32, #tpu.memory_space<vmem_shared>>) target(%dma_start3A_15 : memref<320x128xf32, #tpu.memory_space<hbm>>) target_semaphore(%run_scoped3A : memref<!tpu.dma_semaphore, #tpu.memory_space<semaphore_mem>>)
      %dma_wait3A = arith.constant 0 : i32
      %dma_wait3A_18 = tpu.memref_slice %arg5[%add3A, %dma_wait3A] : memref<10240x128xf32, #tpu.memory_space<hbm>> -> memref<320x128xf32, #tpu.memory_space<hbm>>
      %dma_wait3A_19 = arith.constant 0 : i32
      %dma_wait3A_20 = tpu.memref_slice %arg8[%mul3A_12, %dma_wait3A_19] : memref<5248x128xf32, #tpu.memory_space<vmem_shared>> -> memref<320x128xf32, #tpu.memory_space<vmem_shared>>
      tpu.wait_dma2 semaphore(%run_scoped3A : memref<!tpu.dma_semaphore, #tpu.memory_space<semaphore_mem>>) src(%dma_wait3A_20 : memref<320x128xf32, #tpu.memory_space<vmem_shared>>) dst(%dma_wait3A_18 : memref<320x128xf32, #tpu.memory_space<hbm>>)
      tpu.yield
    }) : () -> ()
    return
  }
}

#map = affine_map<(d0, d1) -> (0, 0)>
#map1 = affine_map<(d0, d1) -> (0)>
module attributes {stable_mosaic.version = 14 : i64} {
  func.func @gk(%arg0: i32, %arg1: i32, %arg2: memref<1024x128xf32, #tpu.memory_space<hbm>>, %arg3: memref<320000xi32, #tpu.memory_space<hbm>>, %arg4: memref<10000x128xf32, #tpu.memory_space<hbm>>, %arg5: memref<320000xi32, #tpu.memory_space<hbm>>, %arg6: memref<401x128xf32, #tpu.memory_space<hbm>>, %arg7: memref<320000xi32, #tpu.memory_space<hbm>>, %arg8: memref<320000x128xf32, #tpu.memory_space<hbm>>, %arg9: memref<320000x128xf32, #tpu.memory_space<hbm>>, %arg10: memref<320000x128xf32, #tpu.memory_space<hbm>>, %arg11: memref<200xi32, #tpu.memory_space<vmem>>, %arg12: memref<200xi32, #tpu.memory_space<vmem>>, %arg13: memref<200xi32, #tpu.memory_space<vmem>>, %arg14: memref<200x128xf32, #tpu.memory_space<vmem>>, %arg15: memref<200x128xf32, #tpu.memory_space<vmem>>, %arg16: memref<200x128xf32, #tpu.memory_space<vmem>>, %arg17: memref<!tpu.dma_semaphore, #tpu.memory_space<semaphore_mem>>, %arg18: memref<!tpu.dma_semaphore, #tpu.memory_space<semaphore_mem>>, %arg19: memref<!tpu.dma_semaphore, #tpu.memory_space<semaphore_mem>>) attributes {dimension_semantics = [#tpu.dimension_semantics<core_parallel>, #tpu.dimension_semantics<subcore_parallel>], iteration_bounds = array<i64: 2, 16>, scalar_prefetch = 0 : i64, scratch_operands = 9 : i64, tpu.core_type = #tpu.core_type<sc_vector_subcore>, window_params = [{transform_indices = #map}, {transform_indices = #map1}, {transform_indices = #map}, {transform_indices = #map1}, {transform_indices = #map}, {transform_indices = #map1}, {transform_indices = #map}, {transform_indices = #map}, {transform_indices = #map}]} {
    %mul3A = arith.constant 2 : i32
    %mul3A_0 = arith.muli %arg1, %mul3A : i32
    %add3A = arith.addi %mul3A_0, %arg0 : i32
    %mul3A_1 = arith.constant 10000 : i32
    %mul3A_2 = arith.muli %add3A, %mul3A_1 : i32
    %scan3A = arith.constant 0 : i32
    %scan3A_3 = arith.constant 0 : i32
    %scan3A_4 = arith.constant 50 : i32
    %scan3A_5 = arith.addi %scan3A_3, %scan3A_4 : i32
    %scan3A_6 = arith.constant 1 : i32
    scf.for %scan3A_8 = %scan3A_3 to %scan3A_5 step %scan3A_6  : i32 {
      %mul3A_9 = arith.constant 200 : i32
      %mul3A_10 = arith.muli %scan3A_8, %mul3A_9 : i32
      %add3A_11 = arith.addi %mul3A_2, %mul3A_10 : i32
      "tpu.region"() ({
        %run_scoped3A = tpu.sem_alloc : memref<!tpu.dma_semaphore, #tpu.memory_space<semaphore_mem>>
        %dma_start3A_28 = tpu.memref_slice %arg3[%add3A_11] : memref<320000xi32, #tpu.memory_space<hbm>> -> memref<200xi32, #tpu.memory_space<hbm>>
        %dma_start3A_29 = tpu.memref_slice %arg3[%add3A_11] : memref<320000xi32, #tpu.memory_space<hbm>> -> memref<200xi32, #tpu.memory_space<hbm>>
        tpu.enqueue_dma source(%dma_start3A_29 : memref<200xi32, #tpu.memory_space<hbm>>) target(%arg11 : memref<200xi32, #tpu.memory_space<vmem>>) target_semaphore(%run_scoped3A : memref<!tpu.dma_semaphore, #tpu.memory_space<semaphore_mem>>)
        %dma_wait3A_30 = tpu.memref_slice %arg3[%add3A_11] : memref<320000xi32, #tpu.memory_space<hbm>> -> memref<200xi32, #tpu.memory_space<hbm>>
        %dma_wait3A_31 = tpu.memref_slice %arg3[%add3A_11] : memref<320000xi32, #tpu.memory_space<hbm>> -> memref<200xi32, #tpu.memory_space<hbm>>
        tpu.wait_dma2 semaphore(%run_scoped3A : memref<!tpu.dma_semaphore, #tpu.memory_space<semaphore_mem>>) src(%dma_wait3A_31 : memref<200xi32, #tpu.memory_space<hbm>>) dst(%arg11 : memref<200xi32, #tpu.memory_space<vmem>>)
        tpu.yield
      }) : () -> ()
      %dma_start3A = arith.constant 0 : i32
      %dma_start3A_12 = arith.constant 0 : i32
      %dma_start3A_13 = tpu.memref_slice %arg2[%dma_start3A, %dma_start3A_12] : memref<1024x128xf32, #tpu.memory_space<hbm>> -> memref<1024x128xf32, #tpu.memory_space<hbm>>
      tpu.enqueue_indirect_dma source(%dma_start3A_13 : memref<1024x128xf32, #tpu.memory_space<hbm>>) target(%arg14 : memref<200x128xf32, #tpu.memory_space<vmem>>) offsets(%arg11 : memref<200xi32, #tpu.memory_space<vmem>>) semaphore(%arg17 : memref<!tpu.dma_semaphore, #tpu.memory_space<semaphore_mem>>)
      "tpu.region"() ({
        %run_scoped3A = tpu.sem_alloc : memref<!tpu.dma_semaphore, #tpu.memory_space<semaphore_mem>>
        %dma_start3A_28 = tpu.memref_slice %arg5[%add3A_11] : memref<320000xi32, #tpu.memory_space<hbm>> -> memref<200xi32, #tpu.memory_space<hbm>>
        %dma_start3A_29 = tpu.memref_slice %arg5[%add3A_11] : memref<320000xi32, #tpu.memory_space<hbm>> -> memref<200xi32, #tpu.memory_space<hbm>>
        tpu.enqueue_dma source(%dma_start3A_29 : memref<200xi32, #tpu.memory_space<hbm>>) target(%arg12 : memref<200xi32, #tpu.memory_space<vmem>>) target_semaphore(%run_scoped3A : memref<!tpu.dma_semaphore, #tpu.memory_space<semaphore_mem>>)
        %dma_wait3A_30 = tpu.memref_slice %arg5[%add3A_11] : memref<320000xi32, #tpu.memory_space<hbm>> -> memref<200xi32, #tpu.memory_space<hbm>>
        %dma_wait3A_31 = tpu.memref_slice %arg5[%add3A_11] : memref<320000xi32, #tpu.memory_space<hbm>> -> memref<200xi32, #tpu.memory_space<hbm>>
        tpu.wait_dma2 semaphore(%run_scoped3A : memref<!tpu.dma_semaphore, #tpu.memory_space<semaphore_mem>>) src(%dma_wait3A_31 : memref<200xi32, #tpu.memory_space<hbm>>) dst(%arg12 : memref<200xi32, #tpu.memory_space<vmem>>)
        tpu.yield
      }) : () -> ()
      %dma_start3A_14 = arith.constant 0 : i32
      %dma_start3A_15 = arith.constant 0 : i32
      %dma_start3A_16 = tpu.memref_slice %arg4[%dma_start3A_14, %dma_start3A_15] : memref<10000x128xf32, #tpu.memory_space<hbm>> -> memref<10000x128xf32, #tpu.memory_space<hbm>>
      tpu.enqueue_indirect_dma source(%dma_start3A_16 : memref<10000x128xf32, #tpu.memory_space<hbm>>) target(%arg15 : memref<200x128xf32, #tpu.memory_space<vmem>>) offsets(%arg12 : memref<200xi32, #tpu.memory_space<vmem>>) semaphore(%arg18 : memref<!tpu.dma_semaphore, #tpu.memory_space<semaphore_mem>>)
      "tpu.region"() ({
        %run_scoped3A = tpu.sem_alloc : memref<!tpu.dma_semaphore, #tpu.memory_space<semaphore_mem>>
        %dma_start3A_28 = tpu.memref_slice %arg7[%add3A_11] : memref<320000xi32, #tpu.memory_space<hbm>> -> memref<200xi32, #tpu.memory_space<hbm>>
        %dma_start3A_29 = tpu.memref_slice %arg7[%add3A_11] : memref<320000xi32, #tpu.memory_space<hbm>> -> memref<200xi32, #tpu.memory_space<hbm>>
        tpu.enqueue_dma source(%dma_start3A_29 : memref<200xi32, #tpu.memory_space<hbm>>) target(%arg13 : memref<200xi32, #tpu.memory_space<vmem>>) target_semaphore(%run_scoped3A : memref<!tpu.dma_semaphore, #tpu.memory_space<semaphore_mem>>)
        %dma_wait3A_30 = tpu.memref_slice %arg7[%add3A_11] : memref<320000xi32, #tpu.memory_space<hbm>> -> memref<200xi32, #tpu.memory_space<hbm>>
        %dma_wait3A_31 = tpu.memref_slice %arg7[%add3A_11] : memref<320000xi32, #tpu.memory_space<hbm>> -> memref<200xi32, #tpu.memory_space<hbm>>
        tpu.wait_dma2 semaphore(%run_scoped3A : memref<!tpu.dma_semaphore, #tpu.memory_space<semaphore_mem>>) src(%dma_wait3A_31 : memref<200xi32, #tpu.memory_space<hbm>>) dst(%arg13 : memref<200xi32, #tpu.memory_space<vmem>>)
        tpu.yield
      }) : () -> ()
      %dma_start3A_17 = arith.constant 0 : i32
      %dma_start3A_18 = arith.constant 0 : i32
      %dma_start3A_19 = tpu.memref_slice %arg6[%dma_start3A_17, %dma_start3A_18] : memref<401x128xf32, #tpu.memory_space<hbm>> -> memref<401x128xf32, #tpu.memory_space<hbm>>
      tpu.enqueue_indirect_dma source(%dma_start3A_19 : memref<401x128xf32, #tpu.memory_space<hbm>>) target(%arg16 : memref<200x128xf32, #tpu.memory_space<vmem>>) offsets(%arg13 : memref<200xi32, #tpu.memory_space<vmem>>) semaphore(%arg19 : memref<!tpu.dma_semaphore, #tpu.memory_space<semaphore_mem>>)
      %dma_wait3A = arith.constant 0 : i32
      %dma_wait3A_20 = arith.constant 0 : i32
      %dma_wait3A_21 = tpu.memref_slice %arg2[%dma_wait3A, %dma_wait3A_20] : memref<1024x128xf32, #tpu.memory_space<hbm>> -> memref<1024x128xf32, #tpu.memory_space<hbm>>
      tpu.wait_indirect_dma semaphore(%arg17 : memref<!tpu.dma_semaphore, #tpu.memory_space<semaphore_mem>>) src(%dma_wait3A_21 : memref<1024x128xf32, #tpu.memory_space<hbm>>) dst(%arg14 : memref<200x128xf32, #tpu.memory_space<vmem>>)
      "tpu.region"() ({
        %run_scoped3A = tpu.sem_alloc : memref<!tpu.dma_semaphore, #tpu.memory_space<semaphore_mem>>
        %dma_start3A_28 = arith.constant 0 : i32
        %dma_start3A_29 = tpu.memref_slice %arg8[%add3A_11, %dma_start3A_28] : memref<320000x128xf32, #tpu.memory_space<hbm>> -> memref<200x128xf32, #tpu.memory_space<hbm>>
        %dma_start3A_30 = arith.constant 0 : i32
        %dma_start3A_31 = tpu.memref_slice %arg8[%add3A_11, %dma_start3A_30] : memref<320000x128xf32, #tpu.memory_space<hbm>> -> memref<200x128xf32, #tpu.memory_space<hbm>>
        tpu.enqueue_dma source(%arg14 : memref<200x128xf32, #tpu.memory_space<vmem>>) target(%dma_start3A_31 : memref<200x128xf32, #tpu.memory_space<hbm>>) target_semaphore(%run_scoped3A : memref<!tpu.dma_semaphore, #tpu.memory_space<semaphore_mem>>)
        %dma_wait3A_32 = arith.constant 0 : i32
        %dma_wait3A_33 = tpu.memref_slice %arg8[%add3A_11, %dma_wait3A_32] : memref<320000x128xf32, #tpu.memory_space<hbm>> -> memref<200x128xf32, #tpu.memory_space<hbm>>
        %dma_wait3A_34 = arith.constant 0 : i32
        %dma_wait3A_35 = tpu.memref_slice %arg8[%add3A_11, %dma_wait3A_34] : memref<320000x128xf32, #tpu.memory_space<hbm>> -> memref<200x128xf32, #tpu.memory_space<hbm>>
        tpu.wait_dma2 semaphore(%run_scoped3A : memref<!tpu.dma_semaphore, #tpu.memory_space<semaphore_mem>>) src(%arg14 : memref<200x128xf32, #tpu.memory_space<vmem>>) dst(%dma_wait3A_35 : memref<200x128xf32, #tpu.memory_space<hbm>>)
        tpu.yield
      }) : () -> ()
      %dma_wait3A_22 = arith.constant 0 : i32
      %dma_wait3A_23 = arith.constant 0 : i32
      %dma_wait3A_24 = tpu.memref_slice %arg4[%dma_wait3A_22, %dma_wait3A_23] : memref<10000x128xf32, #tpu.memory_space<hbm>> -> memref<10000x128xf32, #tpu.memory_space<hbm>>
      tpu.wait_indirect_dma semaphore(%arg18 : memref<!tpu.dma_semaphore, #tpu.memory_space<semaphore_mem>>) src(%dma_wait3A_24 : memref<10000x128xf32, #tpu.memory_space<hbm>>) dst(%arg15 : memref<200x128xf32, #tpu.memory_space<vmem>>)
      "tpu.region"() ({
        %run_scoped3A = tpu.sem_alloc : memref<!tpu.dma_semaphore, #tpu.memory_space<semaphore_mem>>
        %dma_start3A_28 = arith.constant 0 : i32
        %dma_start3A_29 = tpu.memref_slice %arg9[%add3A_11, %dma_start3A_28] : memref<320000x128xf32, #tpu.memory_space<hbm>> -> memref<200x128xf32, #tpu.memory_space<hbm>>
        %dma_start3A_30 = arith.constant 0 : i32
        %dma_start3A_31 = tpu.memref_slice %arg9[%add3A_11, %dma_start3A_30] : memref<320000x128xf32, #tpu.memory_space<hbm>> -> memref<200x128xf32, #tpu.memory_space<hbm>>
        tpu.enqueue_dma source(%arg15 : memref<200x128xf32, #tpu.memory_space<vmem>>) target(%dma_start3A_31 : memref<200x128xf32, #tpu.memory_space<hbm>>) target_semaphore(%run_scoped3A : memref<!tpu.dma_semaphore, #tpu.memory_space<semaphore_mem>>)
        %dma_wait3A_32 = arith.constant 0 : i32
        %dma_wait3A_33 = tpu.memref_slice %arg9[%add3A_11, %dma_wait3A_32] : memref<320000x128xf32, #tpu.memory_space<hbm>> -> memref<200x128xf32, #tpu.memory_space<hbm>>
        %dma_wait3A_34 = arith.constant 0 : i32
        %dma_wait3A_35 = tpu.memref_slice %arg9[%add3A_11, %dma_wait3A_34] : memref<320000x128xf32, #tpu.memory_space<hbm>> -> memref<200x128xf32, #tpu.memory_space<hbm>>
        tpu.wait_dma2 semaphore(%run_scoped3A : memref<!tpu.dma_semaphore, #tpu.memory_space<semaphore_mem>>) src(%arg15 : memref<200x128xf32, #tpu.memory_space<vmem>>) dst(%dma_wait3A_35 : memref<200x128xf32, #tpu.memory_space<hbm>>)
        tpu.yield
      }) : () -> ()
      %dma_wait3A_25 = arith.constant 0 : i32
      %dma_wait3A_26 = arith.constant 0 : i32
      %dma_wait3A_27 = tpu.memref_slice %arg6[%dma_wait3A_25, %dma_wait3A_26] : memref<401x128xf32, #tpu.memory_space<hbm>> -> memref<401x128xf32, #tpu.memory_space<hbm>>
      tpu.wait_indirect_dma semaphore(%arg19 : memref<!tpu.dma_semaphore, #tpu.memory_space<semaphore_mem>>) src(%dma_wait3A_27 : memref<401x128xf32, #tpu.memory_space<hbm>>) dst(%arg16 : memref<200x128xf32, #tpu.memory_space<vmem>>)
      "tpu.region"() ({
        %run_scoped3A = tpu.sem_alloc : memref<!tpu.dma_semaphore, #tpu.memory_space<semaphore_mem>>
        %dma_start3A_28 = arith.constant 0 : i32
        %dma_start3A_29 = tpu.memref_slice %arg10[%add3A_11, %dma_start3A_28] : memref<320000x128xf32, #tpu.memory_space<hbm>> -> memref<200x128xf32, #tpu.memory_space<hbm>>
        %dma_start3A_30 = arith.constant 0 : i32
        %dma_start3A_31 = tpu.memref_slice %arg10[%add3A_11, %dma_start3A_30] : memref<320000x128xf32, #tpu.memory_space<hbm>> -> memref<200x128xf32, #tpu.memory_space<hbm>>
        tpu.enqueue_dma source(%arg16 : memref<200x128xf32, #tpu.memory_space<vmem>>) target(%dma_start3A_31 : memref<200x128xf32, #tpu.memory_space<hbm>>) target_semaphore(%run_scoped3A : memref<!tpu.dma_semaphore, #tpu.memory_space<semaphore_mem>>)
        %dma_wait3A_32 = arith.constant 0 : i32
        %dma_wait3A_33 = tpu.memref_slice %arg10[%add3A_11, %dma_wait3A_32] : memref<320000x128xf32, #tpu.memory_space<hbm>> -> memref<200x128xf32, #tpu.memory_space<hbm>>
        %dma_wait3A_34 = arith.constant 0 : i32
        %dma_wait3A_35 = tpu.memref_slice %arg10[%add3A_11, %dma_wait3A_34] : memref<320000x128xf32, #tpu.memory_space<hbm>> -> memref<200x128xf32, #tpu.memory_space<hbm>>
        tpu.wait_dma2 semaphore(%run_scoped3A : memref<!tpu.dma_semaphore, #tpu.memory_space<semaphore_mem>>) src(%arg16 : memref<200x128xf32, #tpu.memory_space<vmem>>) dst(%dma_wait3A_35 : memref<200x128xf32, #tpu.memory_space<hbm>>)
        tpu.yield
      }) : () -> ()
    }
    %scan3A_7 = arith.constant 50 : i32
    return
  }
}

module attributes {stable_mosaic.version = 14 : i64} {
  func.func @body(%arg0: memref<10240x128xf32, #tpu.memory_space<vmem>>, %arg1: memref<128x128xf32, #tpu.memory_space<vmem>>, %arg2: memref<10240x128xf32, #tpu.memory_space<vmem>>) attributes {dimension_semantics = [], scalar_prefetch = 0 : i64, scratch_operands = 0 : i64, tpu.core_type = #tpu.core_type<tc>} {
    %get3A = arith.constant 0 : index
    %get3A_0 = arith.constant 0 : index
    %get3A_1 = vector.load %arg0[%get3A, %get3A_0] : memref<10240x128xf32, #tpu.memory_space<vmem>>, vector<10240x128xf32>
    %get3A_2 = arith.constant 0 : index
    %get3A_3 = arith.constant 0 : index
    %get3A_4 = vector.load %arg1[%get3A_2, %get3A_3] : memref<128x128xf32, #tpu.memory_space<vmem>>, vector<128x128xf32>
    %dot_general3A = arith.constant dense<0.000000e+00> : vector<10240x128xf32>
    %dot_general3A_5 = tpu.matmul %get3A_1, %get3A_4, %dot_general3A {dimension_numbers = #tpu.dot_dimension_numbers<[1], [0], [0], [1], [0, 0, 1, 1], [], []>, transpose_lhs_hint = false} : vector<10240x128xf32>, vector<128x128xf32>, vector<10240x128xf32> -> vector<10240x128xf32>
    %swap3A = arith.constant 0 : index
    %swap3A_6 = arith.constant 0 : index
    %swap3A_7 = vector.load %arg2[%swap3A, %swap3A_6] : memref<10240x128xf32, #tpu.memory_space<vmem>>, vector<10240x128xf32>
    tpu.vector_store %arg2[%swap3A, %swap3A_6], %dot_general3A_5 {strides = array<i32>} : memref<10240x128xf32, #tpu.memory_space<vmem>>, vector<10240x128xf32>,
    return
  }
}

module attributes {stable_mosaic.version = 14 : i64} {
  func.func @body(%arg0: i32, %arg1: memref<2560x128xf32, #tpu.memory_space<vmem>>, %arg2: memref<2560x128xf32, #tpu.memory_space<vmem>>, %arg3: memref<2560x128xf32, #tpu.memory_space<vmem>>, %arg4: memref<128x128xf32, #tpu.memory_space<vmem>>, %arg5: memref<128x128xf32, #tpu.memory_space<vmem>>, %arg6: memref<1x128xf32, #tpu.memory_space<vmem>>, %arg7: memref<2560x128xf32, #tpu.memory_space<vmem>>) attributes {dimension_semantics = [#tpu.dimension_semantics<arbitrary>], iteration_bounds = array<i64: 125>, scalar_prefetch = 0 : i64, scratch_operands = 0 : i64, tpu.core_type = #tpu.core_type<tc>, window_params = [{transform_indices = @transform_0, window_bounds = array<i64: 2560, 128>}, {transform_indices = @transform_1, window_bounds = array<i64: 2560, 128>}, {transform_indices = @transform_2, window_bounds = array<i64: 2560, 128>}, {pipeline_mode = #tpu.pipeline_mode<synchronous>, transform_indices = @transform_3, window_bounds = array<i64: 128, 128>}, {pipeline_mode = #tpu.pipeline_mode<synchronous>, transform_indices = @transform_4, window_bounds = array<i64: 128, 128>}, {pipeline_mode = #tpu.pipeline_mode<synchronous>, transform_indices = @transform_5, window_bounds = array<i64: 1, 128>}, {transform_indices = @transform_6, window_bounds = array<i64: 2560, 128>}]} {
    %get3A = arith.constant 0 : index
    %get3A_0 = arith.constant 0 : index
    %get3A_1 = vector.load %arg1[%get3A, %get3A_0] : memref<2560x128xf32, #tpu.memory_space<vmem>>, vector<2560x128xf32>
    %get3A_2 = arith.constant 0 : index
    %get3A_3 = arith.constant 0 : index
    %get3A_4 = vector.load %arg2[%get3A_2, %get3A_3] : memref<2560x128xf32, #tpu.memory_space<vmem>>, vector<2560x128xf32>
    %get3A_5 = arith.constant 0 : index
    %get3A_6 = arith.constant 0 : index
    %get3A_7 = vector.load %arg4[%get3A_5, %get3A_6] : memref<128x128xf32, #tpu.memory_space<vmem>>, vector<128x128xf32>
    %dot_general3A = arith.constant dense<0.000000e+00> : vector<2560x128xf32>
    %dot_general3A_8 = tpu.matmul %get3A_1, %get3A_7, %dot_general3A {dimension_numbers = #tpu.dot_dimension_numbers<[1], [0], [0], [1], [0, 0, 1, 1], [], []>, transpose_lhs_hint = false} : vector<2560x128xf32>, vector<128x128xf32>, vector<2560x128xf32> -> vector<2560x128xf32>
    %get3A_9 = arith.constant 0 : index
    %get3A_10 = arith.constant 0 : index
    %get3A_11 = vector.load %arg5[%get3A_9, %get3A_10] : memref<128x128xf32, #tpu.memory_space<vmem>>, vector<128x128xf32>
    %dot_general3A_12 = arith.constant dense<0.000000e+00> : vector<2560x128xf32>
    %dot_general3A_13 = tpu.matmul %get3A_4, %get3A_11, %dot_general3A_12 {dimension_numbers = #tpu.dot_dimension_numbers<[1], [0], [0], [1], [0, 0, 1, 1], [], []>, transpose_lhs_hint = false} : vector<2560x128xf32>, vector<128x128xf32>, vector<2560x128xf32> -> vector<2560x128xf32>
    %add3A = arith.addf %dot_general3A_8, %dot_general3A_13 : vector<2560x128xf32>
    %get3A_14 = arith.constant 0 : index
    %get3A_15 = arith.constant 0 : index
    %get3A_16 = vector.load %arg3[%get3A_14, %get3A_15] : memref<2560x128xf32, #tpu.memory_space<vmem>>, vector<2560x128xf32>
    %add3A_17 = arith.addf %add3A, %get3A_16 : vector<2560x128xf32>
    %max3A = arith.constant 0.000000e+00 : f32
    %max3A_18 = vector.broadcast %max3A : f32 to vector<2560x128xf32>
    %max3A_19 = arith.maximumf %add3A_17, %max3A_18 : vector<2560x128xf32>
    %get3A_20 = arith.constant 0 : index
    %get3A_21 = arith.constant 0 : index
    %get3A_22 = vector.load %arg6[%get3A_20, %get3A_21] : memref<1x128xf32, #tpu.memory_space<vmem>>, vector<1x128xf32>
    %mul3A = vector.broadcast %get3A_22 : vector<1x128xf32> to vector<2560x128xf32>
    %mul3A_23 = arith.mulf %max3A_19, %mul3A : vector<2560x128xf32>
    %reduce_sum3A = arith.constant dense<0.000000e+00> : vector<2560xf32>
    %reduce_sum3A_24 = vector.multi_reduction <add>, %mul3A_23, %reduce_sum3A [1] : vector<2560x128xf32> to vector<2560xf32>
    %broadcast_in_dim3A = vector.shape_cast %reduce_sum3A_24 : vector<2560xf32> to vector<2560x1xf32>
    %neg3A = arith.constant 0.000000e+00 : f32
    %neg3A_25 = vector.broadcast %neg3A : f32 to vector<2560x1xf32>
    %neg3A_26 = arith.subf %neg3A_25, %broadcast_in_dim3A : vector<2560x1xf32>
    %exp3A = math.exp %neg3A_26 : vector<2560x1xf32>
    %add3A_27 = arith.constant 1.000000e+00 : f32
    %add3A_28 = vector.broadcast %add3A_27 : f32 to vector<2560x1xf32>
    %add3A_29 = arith.addf %add3A_28, %exp3A : vector<2560x1xf32>
    %div3A = arith.constant 1.000000e+00 : f32
    %div3A_30 = vector.broadcast %div3A : f32 to vector<2560x1xf32>
    %div3A_31 = arith.divf %div3A_30, %add3A_29 : vector<2560x1xf32>
    %mul3A_32 = arith.mulf %get3A_1, %get3A_1 : vector<2560x128xf32>
    %reduce_sum3A_33 = arith.constant dense<0.000000e+00> : vector<2560xf32>
    %reduce_sum3A_34 = vector.multi_reduction <add>, %mul3A_32, %reduce_sum3A_33 [1] : vector<2560x128xf32> to vector<2560xf32>
    %broadcast_in_dim3A_35 = vector.shape_cast %reduce_sum3A_34 : vector<2560xf32> to vector<2560x1xf32>
    %sqrt3A = math.sqrt %broadcast_in_dim3A_35 : vector<2560x1xf32>
    %max3A_36 = arith.constant 1.000000e-15 : f32
    %max3A_37 = vector.broadcast %max3A_36 : f32 to vector<2560x1xf32>
    %max3A_38 = arith.maximumf %sqrt3A, %max3A_37 : vector<2560x1xf32>
    %mul3A_39 = arith.constant 1.000000e-03 : f32
    %mul3A_40 = vector.broadcast %mul3A_39 : f32 to vector<2560x1xf32>
    %mul3A_41 = arith.mulf %mul3A_40, %max3A_38 : vector<2560x1xf32>
    %jit3A = arith.constant -1.500000e+01 : f32
    %jit3A_42 = arith.constant 1.500000e+01 : f32
    %max3A_43 = vector.broadcast %jit3A : f32 to vector<2560x1xf32>
    %max3A_44 = arith.maximumf %max3A_43, %mul3A_41 : vector<2560x1xf32>
    %min3A = vector.broadcast %jit3A_42 : f32 to vector<2560x1xf32>
    %min3A_45 = arith.minimumf %min3A, %max3A_44 : vector<2560x1xf32>
    %tanh3A = math.tanh %min3A_45 : vector<2560x1xf32>
    %mul3A_46 = vector.broadcast %tanh3A : vector<2560x1xf32> to vector<2560x128xf32>
    %mul3A_47 = arith.mulf %mul3A_46, %get3A_1 : vector<2560x128xf32>
    %mul3A_48 = arith.constant 1.000000e-03 : f32
    %mul3A_49 = vector.broadcast %mul3A_48 : f32 to vector<2560x1xf32>
    %mul3A_50 = arith.mulf %mul3A_49, %max3A_38 : vector<2560x1xf32>
    %div3A_51 = vector.broadcast %mul3A_50 : vector<2560x1xf32> to vector<2560x128xf32>
    %div3A_52 = arith.divf %mul3A_47, %div3A_51 : vector<2560x128xf32>
    %mul3A_53 = arith.mulf %div3A_52, %div3A_52 : vector<2560x128xf32>
    %reduce_sum3A_54 = arith.constant dense<0.000000e+00> : vector<2560xf32>
    %reduce_sum3A_55 = vector.multi_reduction <add>, %mul3A_53, %reduce_sum3A_54 [1] : vector<2560x128xf32> to vector<2560xf32>
    %broadcast_in_dim3A_56 = vector.shape_cast %reduce_sum3A_55 : vector<2560xf32> to vector<2560x1xf32>
    %sqrt3A_57 = math.sqrt %broadcast_in_dim3A_56 : vector<2560x1xf32>
    %max3A_58 = arith.constant 1.000000e-15 : f32
    %max3A_59 = vector.broadcast %max3A_58 : f32 to vector<2560x1xf32>
    %max3A_60 = arith.maximumf %sqrt3A_57, %max3A_59 : vector<2560x1xf32>
    %gt3A = arith.constant 9.960000e+02 : f32
    %gt3A_61 = vector.broadcast %gt3A : f32 to vector<2560x1xf32>
    %gt3A_62 = arith.cmpf ogt, %max3A_60, %gt3A_61 : vector<2560x1xf32>
    %div3A_63 = vector.broadcast %max3A_60 : vector<2560x1xf32> to vector<2560x128xf32>
    %div3A_64 = arith.divf %div3A_52, %div3A_63 : vector<2560x128xf32>
    %mul3A_65 = arith.constant 9.960000e+02 : f32
    %mul3A_66 = vector.broadcast %mul3A_65 : f32 to vector<2560x128xf32>
    %mul3A_67 = arith.mulf %div3A_64, %mul3A_66 : vector<2560x128xf32>
    %broadcast_in_dim3A_68 = vector.shape_cast %gt3A_62 : vector<2560x1xi1> to vector<2560x1xi1>
    %broadcast_in_dim3A_69 = vector.broadcast %broadcast_in_dim3A_68 : vector<2560x1xi1> to vector<2560x128xi1>
    %select_n3A = arith.select %broadcast_in_dim3A_69, %mul3A_67, %div3A_52 : vector<2560x128xi1>, vector<2560x128xf32>
    %mul3A_70 = arith.mulf %get3A_4, %get3A_4 : vector<2560x128xf32>
    %reduce_sum3A_71 = arith.constant dense<0.000000e+00> : vector<2560xf32>
    %reduce_sum3A_72 = vector.multi_reduction <add>, %mul3A_70, %reduce_sum3A_71 [1] : vector<2560x128xf32> to vector<2560xf32>
    %broadcast_in_dim3A_73 = vector.shape_cast %reduce_sum3A_72 : vector<2560xf32> to vector<2560x1xf32>
    %sqrt3A_74 = math.sqrt %broadcast_in_dim3A_73 : vector<2560x1xf32>
    %max3A_75 = arith.constant 1.000000e-15 : f32
    %max3A_76 = vector.broadcast %max3A_75 : f32 to vector<2560x1xf32>
    %max3A_77 = arith.maximumf %sqrt3A_74, %max3A_76 : vector<2560x1xf32>
    %mul3A_78 = arith.constant 1.000000e-03 : f32
    %mul3A_79 = vector.broadcast %mul3A_78 : f32 to vector<2560x1xf32>
    %mul3A_80 = arith.mulf %mul3A_79, %max3A_77 : vector<2560x1xf32>
    %jit3A_81 = arith.constant -1.500000e+01 : f32
    %jit3A_82 = arith.constant 1.500000e+01 : f32
    %max3A_83 = vector.broadcast %jit3A_81 : f32 to vector<2560x1xf32>
    %max3A_84 = arith.maximumf %max3A_83, %mul3A_80 : vector<2560x1xf32>
    %min3A_85 = vector.broadcast %jit3A_82 : f32 to vector<2560x1xf32>
    %min3A_86 = arith.minimumf %min3A_85, %max3A_84 : vector<2560x1xf32>
    %tanh3A_87 = math.tanh %min3A_86 : vector<2560x1xf32>
    %mul3A_88 = vector.broadcast %tanh3A_87 : vector<2560x1xf32> to vector<2560x128xf32>
    %mul3A_89 = arith.mulf %mul3A_88, %get3A_4 : vector<2560x128xf32>
    %mul3A_90 = arith.constant 1.000000e-03 : f32
    %mul3A_91 = vector.broadcast %mul3A_90 : f32 to vector<2560x1xf32>
    %mul3A_92 = arith.mulf %mul3A_91, %max3A_77 : vector<2560x1xf32>
    %div3A_93 = vector.broadcast %mul3A_92 : vector<2560x1xf32> to vector<2560x128xf32>
    %div3A_94 = arith.divf %mul3A_89, %div3A_93 : vector<2560x128xf32>
    %mul3A_95 = arith.mulf %div3A_94, %div3A_94 : vector<2560x128xf32>
    %reduce_sum3A_96 = arith.constant dense<0.000000e+00> : vector<2560xf32>
    %reduce_sum3A_97 = vector.multi_reduction <add>, %mul3A_95, %reduce_sum3A_96 [1] : vector<2560x128xf32> to vector<2560xf32>
    %broadcast_in_dim3A_98 = vector.shape_cast %reduce_sum3A_97 : vector<2560xf32> to vector<2560x1xf32>
    %sqrt3A_99 = math.sqrt %broadcast_in_dim3A_98 : vector<2560x1xf32>
    %max3A_100 = arith.constant 1.000000e-15 : f32
    %max3A_101 = vector.broadcast %max3A_100 : f32 to vector<2560x1xf32>
    %max3A_102 = arith.maximumf %sqrt3A_99, %max3A_101 : vector<2560x1xf32>
    %gt3A_103 = arith.constant 9.960000e+02 : f32
    %gt3A_104 = vector.broadcast %gt3A_103 : f32 to vector<2560x1xf32>
    %gt3A_105 = arith.cmpf ogt, %max3A_102, %gt3A_104 : vector<2560x1xf32>
    %div3A_106 = vector.broadcast %max3A_102 : vector<2560x1xf32> to vector<2560x128xf32>
    %div3A_107 = arith.divf %div3A_94, %div3A_106 : vector<2560x128xf32>
    %mul3A_108 = arith.constant 9.960000e+02 : f32
    %mul3A_109 = vector.broadcast %mul3A_108 : f32 to vector<2560x128xf32>
    %mul3A_110 = arith.mulf %div3A_107, %mul3A_109 : vector<2560x128xf32>
    %broadcast_in_dim3A_111 = vector.shape_cast %gt3A_105 : vector<2560x1xi1> to vector<2560x1xi1>
    %broadcast_in_dim3A_112 = vector.broadcast %broadcast_in_dim3A_111 : vector<2560x1xi1> to vector<2560x128xi1>
    %select_n3A_113 = arith.select %broadcast_in_dim3A_112, %mul3A_110, %div3A_94 : vector<2560x128xi1>, vector<2560x128xf32>
    %mul3A_114 = arith.mulf %select_n3A, %select_n3A : vector<2560x128xf32>
    %reduce_sum3A_115 = arith.constant dense<0.000000e+00> : vector<2560xf32>
    %reduce_sum3A_116 = vector.multi_reduction <add>, %mul3A_114, %reduce_sum3A_115 [1] : vector<2560x128xf32> to vector<2560xf32>
    %broadcast_in_dim3A_117 = vector.shape_cast %reduce_sum3A_116 : vector<2560xf32> to vector<2560x1xf32>
    %mul3A_118 = arith.mulf %select_n3A_113, %select_n3A_113 : vector<2560x128xf32>
    %reduce_sum3A_119 = arith.constant dense<0.000000e+00> : vector<2560xf32>
    %reduce_sum3A_120 = vector.multi_reduction <add>, %mul3A_118, %reduce_sum3A_119 [1] : vector<2560x128xf32> to vector<2560xf32>
    %broadcast_in_dim3A_121 = vector.shape_cast %reduce_sum3A_120 : vector<2560xf32> to vector<2560x1xf32>
    %mul3A_122 = arith.mulf %select_n3A, %select_n3A_113 : vector<2560x128xf32>
    %reduce_sum3A_123 = arith.constant dense<0.000000e+00> : vector<2560xf32>
    %reduce_sum3A_124 = vector.multi_reduction <add>, %mul3A_122, %reduce_sum3A_123 [1] : vector<2560x128xf32> to vector<2560xf32>
    %broadcast_in_dim3A_125 = vector.shape_cast %reduce_sum3A_124 : vector<2560xf32> to vector<2560x1xf32>
    %mul3A_126 = arith.constant 2.000000e-06 : f32
    %mul3A_127 = vector.broadcast %mul3A_126 : f32 to vector<2560x1xf32>
    %mul3A_128 = arith.mulf %mul3A_127, %broadcast_in_dim3A_125 : vector<2560x1xf32>
    %add3A_129 = arith.constant 1.000000e+00 : f32
    %add3A_130 = vector.broadcast %add3A_129 : f32 to vector<2560x1xf32>
    %add3A_131 = arith.addf %add3A_130, %mul3A_128 : vector<2560x1xf32>
    %mul3A_132 = arith.constant 9.99999997E-7 : f32
    %mul3A_133 = vector.broadcast %mul3A_132 : f32 to vector<2560x1xf32>
    %mul3A_134 = arith.mulf %mul3A_133, %broadcast_in_dim3A_121 : vector<2560x1xf32>
    %add3A_135 = arith.addf %add3A_131, %mul3A_134 : vector<2560x1xf32>
    %mul3A_136 = vector.broadcast %add3A_135 : vector<2560x1xf32> to vector<2560x128xf32>
    %mul3A_137 = arith.mulf %mul3A_136, %select_n3A : vector<2560x128xf32>
    %mul3A_138 = arith.constant 9.99999997E-7 : f32
    %mul3A_139 = vector.broadcast %mul3A_138 : f32 to vector<2560x1xf32>
    %mul3A_140 = arith.mulf %mul3A_139, %broadcast_in_dim3A_117 : vector<2560x1xf32>
    %sub3A = arith.constant 1.000000e+00 : f32
    %sub3A_141 = vector.broadcast %sub3A : f32 to vector<2560x1xf32>
    %sub3A_142 = arith.subf %sub3A_141, %mul3A_140 : vector<2560x1xf32>
    %mul3A_143 = vector.broadcast %sub3A_142 : vector<2560x1xf32> to vector<2560x128xf32>
    %mul3A_144 = arith.mulf %mul3A_143, %select_n3A_113 : vector<2560x128xf32>
    %add3A_145 = arith.addf %mul3A_137, %mul3A_144 : vector<2560x128xf32>
    %mul3A_146 = arith.constant 2.000000e-06 : f32
    %mul3A_147 = vector.broadcast %mul3A_146 : f32 to vector<2560x1xf32>
    %mul3A_148 = arith.mulf %mul3A_147, %broadcast_in_dim3A_125 : vector<2560x1xf32>
    %add3A_149 = arith.constant 1.000000e+00 : f32
    %add3A_150 = vector.broadcast %add3A_149 : f32 to vector<2560x1xf32>
    %add3A_151 = arith.addf %add3A_150, %mul3A_148 : vector<2560x1xf32>
    %mul3A_152 = arith.constant 9.99999996E-13 : f32
    %mul3A_153 = vector.broadcast %mul3A_152 : f32 to vector<2560x1xf32>
    %mul3A_154 = arith.mulf %mul3A_153, %broadcast_in_dim3A_117 : vector<2560x1xf32>
    %mul3A_155 = arith.mulf %mul3A_154, %broadcast_in_dim3A_121 : vector<2560x1xf32>
    %add3A_156 = arith.addf %add3A_151, %mul3A_155 : vector<2560x1xf32>
    %max3A_157 = arith.constant 1.000000e-15 : f32
    %max3A_158 = vector.broadcast %max3A_157 : f32 to vector<2560x1xf32>
    %max3A_159 = arith.maximumf %add3A_156, %max3A_158 : vector<2560x1xf32>
    %div3A_160 = vector.broadcast %max3A_159 : vector<2560x1xf32> to vector<2560x128xf32>
    %div3A_161 = arith.divf %add3A_145, %div3A_160 : vector<2560x128xf32>
    %mul3A_162 = arith.mulf %div3A_161, %div3A_161 : vector<2560x128xf32>
    %reduce_sum3A_163 = arith.constant dense<0.000000e+00> : vector<2560xf32>
    %reduce_sum3A_164 = vector.multi_reduction <add>, %mul3A_162, %reduce_sum3A_163 [1] : vector<2560x128xf32> to vector<2560xf32>
    %broadcast_in_dim3A_165 = vector.shape_cast %reduce_sum3A_164 : vector<2560xf32> to vector<2560x1xf32>
    %sqrt3A_166 = math.sqrt %broadcast_in_dim3A_165 : vector<2560x1xf32>
    %max3A_167 = arith.constant 1.000000e-15 : f32
    %max3A_168 = vector.broadcast %max3A_167 : f32 to vector<2560x1xf32>
    %max3A_169 = arith.maximumf %sqrt3A_166, %max3A_168 : vector<2560x1xf32>
    %gt3A_170 = arith.constant 9.960000e+02 : f32
    %gt3A_171 = vector.broadcast %gt3A_170 : f32 to vector<2560x1xf32>
    %gt3A_172 = arith.cmpf ogt, %max3A_169, %gt3A_171 : vector<2560x1xf32>
    %div3A_173 = vector.broadcast %max3A_169 : vector<2560x1xf32> to vector<2560x128xf32>
    %div3A_174 = arith.divf %div3A_161, %div3A_173 : vector<2560x128xf32>
    %mul3A_175 = arith.constant 9.960000e+02 : f32
    %mul3A_176 = vector.broadcast %mul3A_175 : f32 to vector<2560x128xf32>
    %mul3A_177 = arith.mulf %div3A_174, %mul3A_176 : vector<2560x128xf32>
    %broadcast_in_dim3A_178 = vector.shape_cast %gt3A_172 : vector<2560x1xi1> to vector<2560x1xi1>
    %broadcast_in_dim3A_179 = vector.broadcast %broadcast_in_dim3A_178 : vector<2560x1xi1> to vector<2560x128xi1>
    %select_n3A_180 = arith.select %broadcast_in_dim3A_179, %mul3A_177, %div3A_161 : vector<2560x128xi1>, vector<2560x128xf32>
    %mul3A_181 = arith.mulf %select_n3A_180, %select_n3A_180 : vector<2560x128xf32>
    %reduce_sum3A_182 = arith.constant dense<0.000000e+00> : vector<2560xf32>
    %reduce_sum3A_183 = vector.multi_reduction <add>, %mul3A_181, %reduce_sum3A_182 [1] : vector<2560x128xf32> to vector<2560xf32>
    %broadcast_in_dim3A_184 = vector.shape_cast %reduce_sum3A_183 : vector<2560xf32> to vector<2560x1xf32>
    %sqrt3A_185 = math.sqrt %broadcast_in_dim3A_184 : vector<2560x1xf32>
    %max3A_186 = arith.constant 1.000000e-15 : f32
    %max3A_187 = vector.broadcast %max3A_186 : f32 to vector<2560x1xf32>
    %max3A_188 = arith.maximumf %sqrt3A_185, %max3A_187 : vector<2560x1xf32>
    %mul3A_189 = arith.constant 1.000000e-03 : f32
    %mul3A_190 = vector.broadcast %mul3A_189 : f32 to vector<2560x1xf32>
    %mul3A_191 = arith.mulf %mul3A_190, %max3A_188 : vector<2560x1xf32>
    %jit3A_192 = arith.constant -0.999989986 : f32
    %jit3A_193 = arith.constant 0.999989986 : f32
    %max3A_194 = vector.broadcast %jit3A_192 : f32 to vector<2560x1xf32>
    %max3A_195 = arith.maximumf %max3A_194, %mul3A_191 : vector<2560x1xf32>
    %min3A_196 = vector.broadcast %jit3A_193 : f32 to vector<2560x1xf32>
    %min3A_197 = arith.minimumf %min3A_196, %max3A_195 : vector<2560x1xf32>
    %add3A_198 = arith.constant 1.000000e+00 : f32
    %add3A_199 = vector.broadcast %add3A_198 : f32 to vector<2560x1xf32>
    %add3A_200 = arith.addf %add3A_199, %min3A_197 : vector<2560x1xf32>
    %sub3A_201 = arith.constant 1.000000e+00 : f32
    %sub3A_202 = vector.broadcast %sub3A_201 : f32 to vector<2560x1xf32>
    %sub3A_203 = arith.subf %sub3A_202, %min3A_197 : vector<2560x1xf32>
    %div3A_204 = arith.divf %add3A_200, %sub3A_203 : vector<2560x1xf32>
    %log3A = math.log %div3A_204 : vector<2560x1xf32>
    %mul3A_205 = arith.constant 5.000000e-01 : f32
    %mul3A_206 = vector.broadcast %mul3A_205 : f32 to vector<2560x1xf32>
    %mul3A_207 = arith.mulf %mul3A_206, %log3A : vector<2560x1xf32>
    %div3A_208 = vector.broadcast %max3A_188 : vector<2560x1xf32> to vector<2560x128xf32>
    %div3A_209 = arith.divf %select_n3A_180, %div3A_208 : vector<2560x128xf32>
    %div3A_210 = arith.constant 1.000000e-03 : f32
    %div3A_211 = vector.broadcast %div3A_210 : f32 to vector<2560x128xf32>
    %div3A_212 = arith.divf %div3A_209, %div3A_211 : vector<2560x128xf32>
    %mul3A_213 = vector.broadcast %mul3A_207 : vector<2560x1xf32> to vector<2560x128xf32>
    %mul3A_214 = arith.mulf %div3A_212, %mul3A_213 : vector<2560x128xf32>
    %mul3A_215 = vector.broadcast %div3A_31 : vector<2560x1xf32> to vector<2560x128xf32>
    %mul3A_216 = arith.mulf %mul3A_214, %mul3A_215 : vector<2560x128xf32>
    %swap3A = arith.constant 0 : index
    %swap3A_217 = arith.constant 0 : index
    %swap3A_218 = vector.load %arg7[%swap3A, %swap3A_217] : memref<2560x128xf32, #tpu.memory_space<vmem>>, vector<2560x128xf32>
    tpu.vector_store %arg7[%swap3A, %swap3A_217], %mul3A_216 {strides = array<i32>} : memref<2560x128xf32, #tpu.memory_space<vmem>>, vector<2560x128xf32>,
    return
  }
  func.func @transform_0(%arg0: i32) -> (i32, i32) {
    %c0_i32 = arith.constant 0 : i32
    %c0_i32_0 = arith.constant 0 : i32
    return %arg0, %c0_i32 : i32, i32
  }
  func.func @transform_1(%arg0: i32) -> (i32, i32) {
    %c0_i32 = arith.constant 0 : i32
    %c0_i32_0 = arith.constant 0 : i32
    return %arg0, %c0_i32 : i32, i32
  }
  func.func @transform_2(%arg0: i32) -> (i32, i32) {
    %c0_i32 = arith.constant 0 : i32
    %c0_i32_0 = arith.constant 0 : i32
    return %arg0, %c0_i32 : i32, i32
  }
  func.func @transform_3(%arg0: i32) -> (i32, i32) {
    %c0_i32 = arith.constant 0 : i32
    %c0_i32_0 = arith.constant 0 : i32
    %c0_i32_1 = arith.constant 0 : i32
    return %c0_i32, %c0_i32_0 : i32, i32
  }
  func.func @transform_4(%arg0: i32) -> (i32, i32) {
    %c0_i32 = arith.constant 0 : i32
    %c0_i32_0 = arith.constant 0 : i32
    %c0_i32_1 = arith.constant 0 : i32
    return %c0_i32, %c0_i32_0 : i32, i32
  }
  func.func @transform_5(%arg0: i32) -> (i32, i32) {
    %c0_i32 = arith.constant 0 : i32
    %c0_i32_0 = arith.constant 0 : i32
    %c0_i32_1 = arith.constant 0 : i32
    return %c0_i32, %c0_i32_0 : i32, i32
  }
  func.func @transform_6(%arg0: i32) -> (i32, i32) {
    %c0_i32 = arith.constant 0 : i32
    %c0_i32_0 = arith.constant 0 : i32
    return %arg0, %c0_i32 : i32, i32
  }
}

</mosaic_0001>

<sc_bundles>
// kernel: kernel.10.cloned.1.call-start
scs
__scs_entry_jumppad:
0x0: {  	(pc) =	sbr.rel $0x88, $3  }
0x1: {  	(tag) =	ssettag $0x0;
	lr =	simm.s32 $0x1  }
0x2: {  	[smem:$0x3F97] =	sst lr;
	_ =	strace $0xD0000000  }
0x3: {  	_ = 	snop  }
0x4: {  	_ = 	snop  }
0x5: {  	_ = 	snop  }
0x6: {  	_ = 	snop  }
0x7: {  	_ = 	snop  }
__scs_overlays_trampoline_lowered:
0x8: {  	[smem:$0x3FA6] =	sst s0  }
0x9: {  	[smem:$0x3FA7] =	sst s1  }
0xa: {  	[smem:$0x3FA8] =	sst s2  }
0xb: {  	[smem:$0x3FA9] =	sst s3  }
0xc: {  	[smem:$0x3FAA] =	sst s4  }
0xd: {  	[smem:$0x3FAB] =	sst s5  }
0xe: {  	[smem:$0x3FAC] =	sst s6  }
0xf: {  	[smem:$0x3FAD] =	sst s7  }
0x10: {  	[smem:$0x3FAE] =	sst s8  }
0x11: {  	[smem:$0x3FAF] =	sst s9;
	s0 =	simm.s32 @!p0 $0x0  }
0x12: {  	s1 =	sld [smem:$0x3F95];
	s0 =	simm.s32 @p0 $0x1  }
0x13: {  	[smem:$0x3FB0] =	sst s0;
	s0 =	simm.s32 @!p1 $0x0  }
0x14: {  	s2 =	sld [smem:$0x3F94];
	s0 =	simm.s32 @p1 $0x1  }
0x15: {  	[smem:$0x3FB1] =	sst s0;
	s0 =	simm.s32 @!p2 $0x0  }
0x16: {  	s3 =	sld [smem:$0x3FDB];
	s0 =	simm.s32 @p2 $0x1  }
0x17: {  	s4 =	simm.s32 $0x1BF5;
	[smem:$0x3FB3] =	sst s0  }
0x18: {  	s0 =	sld [smem:$0x3F96];
	_ =	swait.ge [sflag:s4], $0x0  }
0x19: {  	s7 =	sld [smem:$0x3F97]  }
0x1a: {  	s8 =	sadd.s32 $0xFFFFE003, lr  }
0x1b: {  	s9 =	sadd.s32 $0xFFFFFEF7, lr;
	s5 =	simm.s32 $0xFFFFFFFF;
	p2 =	slt.u32 s8, $0xFFFFF086  }
0x1c: {  	p1 =	slt.u32 s9, $0xF7A;
	s5 =	simm.s32 @!p2 $0x0  }
0x1d: {  	s5 =	simm.s32 @p1 $0x1;
	p0 =	seq.s32 s7, s2  }
0x1e: {  	s7 =	smul.u32 @!p0 $0xF7A, s2;
	p2 =	seq.s32 @!p0 s5, $0x0  }
0x1f: {  	s9 =	smul.u32 $0xF7A, s1;
	s8 =	simm.s32 @!p0 $0x1BF5;
	p2 =	por !p2, p0  }
0x20: {  	[sflag:s8] =	ssyncset.s32 @!p0 $0xFFFFF086;
	s6 =	sadd.s32 @!p0 s3, s7;
	s7 =	simm.s32 @!p0 $0x108  }
0x21: {  	s3 =	sadd.s32 s3, s9;
	s6 =	sadd.s32 @!p0 $0x88, s6;
	s7 =	simm.s32 @p2 $0x1082  }
0x22: {  	[simem:s7], [sflag:s8] =	dma.local @!p0 [hbm:s6], $0xF7A  }
0x23: {  	s9 =	sor.u32 $0xD0000000, s2;
	s6 =	simm.s32 $0x108;
	_ =	swait.ge @!p0 [sflag:s8], $0x0  }
0x24: {  	s3 =	sadd.s32 $0x88, s3;
	s6 =	simm.s32 @!p1 $0x1082;
	[sflag:s4] =	ssyncset.s32 $0xFFFFF086  }
0x25: {  	[simem:s6], [sflag:s4] =	dma.local [hbm:s3], $0xF7A  }
0x26: {  	[smem:$0x3F97] =	sst s1;
	(tag) =	ssettag s2;
	_ =	strace s9  }
0x27: {  	s1 =	sld [smem:$0x3FA7]  }
0x28: {  	s2 =	sld [smem:$0x3FA8]  }
0x29: {  	s4 =	sld [smem:$0x3FAA]  }
0x2a: {  	p0 =	seq.s32 s5, $0x0;
	s5 =	sld [smem:$0x3FAB]  }
0x2b: {  	s6 =	sld [smem:$0x3FAC]  }
0x2c: {  	s7 =	sld [smem:$0x3FAD]  }
0x2d: {  	s3 =	simm.s32 $0x108;
	s8 =	sld [smem:$0x3FAE]  }
0x2e: {  	s3 =	simm.s32 @!p0 $0x1082;
	s9 =	sld [smem:$0x3FAF]  }
0x2f: {  	lr =	sadd.s32 s0, s3;
	s0 =	sld [smem:$0x3FA6]  }
0x30: {  	s3 =	sld [smem:$0x3FA9]  }
0x31: {  	[smem:$0x3FB2] =	sst s10  }
0x32: {  	s10 =	sld [smem:$0x3FB0];
	_ =	sdelay $0x3  }
0x33: {  	p0 =	seq.s32 s10, $0x1;
	s10 =	sld [smem:$0x3FB2];
	_ =	sdelay $0x3  }
0x34: {  	[smem:$0x3FB2] =	sst s10  }
0x35: {  	s10 =	sld [smem:$0x3FB1];
	_ =	sdelay $0x3  }
0x36: {  	p1 =	seq.s32 s10, $0x1;
	s10 =	sld [smem:$0x3FB2];
	_ =	sdelay $0x3  }
0x37: {  	[smem:$0x3FB2] =	sst s10  }
0x38: {  	s10 =	sld [smem:$0x3FB3]  }
0x39: {  	_ = 	snop;
	(pc) =	sbr.ind lr, $3  }
0x3a: {  	_ = 	snop  }
0x3b: {  	_ = 	snop  }
0x3c: {  	p2 =	seq.s32 s10, $0x1;
	s10 =	sld [smem:$0x3FB2]  }
0x3d: {  	_ =	shalt  }
0x3e: {  	_ =	shalt  }
0x3f: {  	_ =	shalt  }
0x40: {  	_ =	shalt  }
0x41: {  	_ =	shalt  }
0x42: {  	_ =	shalt  }
0x43: {  	_ =	shalt  }
0x44: {  	_ =	shalt  }
0x45: {  	_ =	shalt  }
0x46: {  	_ =	shalt  }
0x47: {  	_ =	shalt  }
0x48: {  	_ =	shalt  }
0x49: {  	_ =	shalt  }
0x4a: {  	_ =	shalt  }
0x4b: {  	_ =	shalt  }
0x4c: {  	_ =	shalt  }
0x4d: {  	_ =	shalt  }
0x4e: {  	_ =	shalt  }
0x4f: {  	_ =	shalt  }
0x50: {  	_ =	shalt  }
0x51: {  	_ =	shalt  }
0x52: {  	_ =	shalt  }
0x53: {  	_ =	shalt  }
0x54: {  	_ =	shalt  }
0x55: {  	_ =	shalt  }
0x56: {  	_ =	shalt  }
0x57: {  	_ =	shalt  }
0x58: {  	_ =	shalt  }
0x59: {  	_ =	shalt  }
0x5a: {  	_ =	shalt  }
0x5b: {  	_ =	shalt  }
0x5c: {  	_ =	shalt  }
0x5d: {  	_ =	shalt  }
0x5e: {  	_ =	shalt  }
0x5f: {  	_ =	shalt  }
0x60: {  	_ =	shalt  }
0x61: {  	_ =	shalt  }
0x62: {  	_ =	shalt  }
0x63: {  	_ =	shalt  }
0x64: {  	_ =	shalt  }
0x65: {  	_ =	shalt  }
0x66: {  	_ =	shalt  }
0x67: {  	_ =	shalt  }
0x68: {  	_ =	shalt  }
0x69: {  	_ =	shalt  }
0x6a: {  	_ =	shalt  }
0x6b: {  	_ =	shalt  }
0x6c: {  	_ =	shalt  }
0x6d: {  	_ =	shalt  }
0x6e: {  	_ =	shalt  }
0x6f: {  	_ =	shalt  }
0x70: {  	_ =	shalt  }
0x71: {  	_ =	shalt  }
0x72: {  	_ =	shalt  }
0x73: {  	_ =	shalt  }
0x74: {  	_ =	shalt  }
0x75: {  	_ =	shalt  }
0x76: {  	_ =	shalt  }
0x77: {  	_ =	shalt  }
0x78: {  	_ =	shalt  }
0x79: {  	_ =	shalt  }
0x7a: {  	_ =	shalt  }
0x7b: {  	_ =	shalt  }
0x7c: {  	_ =	shalt  }
0x7d: {  	_ =	shalt  }
0x7e: {  	_ =	shalt  }
0x7f: {  	_ =	shalt  }
0x80: {  	_ =	shalt  }
0x81: {  	_ =	shalt  }
0x82: {  	_ =	shalt  }
0x83: {  	_ =	shalt  }
0x84: {  	_ =	shalt  }
0x85: {  	_ =	shalt  }
0x86: {  	_ =	shalt  }
0x87: {  	_ =	shalt  }
.Lfunc_end0:
.L_simem_size_0:
called_computation.1_lowered:
.L_overlay_start_0:
0x88: {  	s2 =	sld [smem:$0x3FD9]  }
0x89: {  	s3 =	sld [smem:$0x3FFE];
	_ =	sdelay $0x1  }
0x8a: {  	s1 =	srdreg.scid  }
0x8b: {  	s0 =	sand.u32 $0x1, s1  }
0x8c: {  	s17 =	sshll.u32 s0, $0xA;
	s2 =	sadd.s32 s3, s2  }
0x8d: {  	s2 =	sadd.s32 s2, s17  }
0x8e: {  	[smem:$0x3FBE] =	sst s2  }
0x8f: {  	_ = 	snop  }
0x90: {  	s2 =	sld [smem:$0x3FC8]  }
0x91: {  	s18 =	sld [smem:$0x3FC6]  }
0x92: {  	s4 =	sld [smem:$0x3FD0];
	(tm) =	ssettm $0x1  }
0x93: {  	s5 =	sld [smem:$0x3FFB];
	_ =	sdelay $0x3  }
0x94: {  	_ =	strace s5  }
0x95: {  	s5 =	sld [smem:$0x3FFC];
	_ =	sdelay $0x3  }
0x96: {  	_ =	strace s5  }
0x97: {  	s5 =	sld [smem:$0x3FFD];
	_ =	sdelay $0x3  }
0x98: {  	_ =	strace s5  }
0x99: {  	_ =	strace $0x8FFFFFFF  }
0x9a: {  	s19 =	sld [smem:$0x3FDB];
	_ =	sdelay $0x1  }
0x9b: {  	s6 =	simm.s32 $_scs_section_size  }
0x9c: {  	s7 =	simm.s32 $_size__tile_overlayer_lowered;
	s8 =	simm.s32 $_tile_overlayer_lowered  }
0x9d: {  	s22 =	simm.s32 $0x1BFF;
	s21 =	sshll.u32 s8, $0x1;
	s5 =	sadd.s32 s6, s19  }
0x9e: {  	s9 =	simm.s32 $0x0;
	s20 =	sshll.u32 s7, $0x1;
	s7 =	sadd.s32 s21, s5  }
0x9f: {  	[timem:s9], [sflag:s22] =	dma.local [hbm:s7], s20  }
0xa0: {  	_ =	swait.ge [sflag:s22], s20  }
0xa1: {  	s6 =	ssub.s32 $0x0, s20;
	[sflag:s22] =	ssyncset.done $0x0  }
0xa2: {  	[sflag:s22] =	ssyncadd.s32 s6;
	_ =	sdelay $0x1  }
0xa3: {  	s23 =	simm.s32 $0x1B8B  }
0xa4: {  	_ =	swait.ge [sflag:s23], $0x1  }
0xa5: {  	[sflag:s23] =	ssyncset.done $0x0  }
0xa6: {  	s25 =	simm.s32 $0x1B8E;
	s24 =	sld [smem:$0x3FFE];
	[sflag:s23] =	ssyncadd.s32 $0xFFFFFFFF  }
0xa7: {  	s26 =	simm.s32 $execute0_lowered;
	[smem:$0x3FD2] =	sst s25  }
0xa8: {  	s7 =	sshll.u32 s26, $0x1;
	_ =	strace $0x80000049;
	[dreg:$0x1] =	wrdreg $0xFFFFFFFF  }
0xa9: {  	s28 =	simm.s32 $_size_execute0_lowered;
	s5 =	sadd.s32 s5, s7;
	[dreg:$0x0] =	wrdreg $0x0  }
0xaa: {  	s7 =	sshll.u32 s28, $0x1;
	[dreg:$0x2] =	wrdreg s5  }
0xab: {  	[dreg:$0x3] =	wrdreg s7  }
0xac: {  	[dreg:$0x4] =	wrdreg $0xC0  }
0xad: {  	_ =	task [dreg:s9], $0x5FFFF  }
0xae: {  	[dreg:$0x1] =	wrdreg $0xFFFFFFFF  }
0xaf: {  	[dreg:$0x0] =	wrdreg $0x60  }
0xb0: {  	[dreg:$0x2] =	wrdreg s24  }
0xb1: {  	[dreg:$0x3] =	wrdreg s2  }
0xb2: {  	[dreg:$0x4] =	wrdreg s18  }
0xb3: {  	[dreg:$0x5] =	wrdreg s4  }
0xb4: {  	[dreg:$0x6] =	wrdreg $0x9  }
0xb5: {  	_ =	task.clear_ibuf [dreg:s9], $0x7FFFF;
	_ =	strace $0x90000049  }
0xb6: {  	s29 =	simm.s32 $0x9;
	_ =	strace $0x8000004B  }
0xb7: {  	_ =	swait.ge [sflag:s29], $0x1  }
0xb8: {  	[sflag:s29] =	ssyncadd.s32 $0xFFFFFFFF  }
0xb9: {  	_ =	strace $0x9000004B  }
0xba: {  	_ =	sfence  }
0xbb: {  	s30 =	sld [smem:$0x0];
	_ =	sdelay $0x2  }
0xbc: {  	s31 =	sshll.u32 s1, $0xD;
	s1 =	sshrl.u32 s1, $0x2  }
0xbd: {  	s3 =	sand.u32 $0x4000, s31;
	s1 =	sadd.s32 s1, s30  }
0xbe: {  	s0 =	sor.u32 s3, s0;
	s1 =	sshll.u32 s1, $0x11  }
0xbf: {  	s0 =	sor.u32 s1, s0  }
0xc0: {  	s0 =	sadd.s32 $0x8F2B, s0  }
0xc1: {  	[sflag:s0] =	ssyncadd.remote.s32 $0x1  }
0xc2: {  	_ =	sfence.sel $0xFFFF  }
0xc3: {  	[dreg:$0x0] =	wrdreg $0xFFFFFFFF;
	(pc) =	sbr.abs _section_cstart, $3  }
0xc4: {  	[dreg:$0x1] =	wrdreg $0xFFFFFFFF  }
0xc5: {  	_ =	task.clear_ibuf [dreg:s9], $0x2FFFF;
	_ =	strace $0x9FFFFFFF  }
0xc6: {  	(tm) =	ssettm $0x7FFFFFFF  }
0xc7: {  	_ =	shalt  }
tec
execute0_lowered:
.L_overlay_start_1:
0x0: {  	(tag) =	ssettag $0x1  }
0x1: {  	s6 =	rddreg [dreg:$0x0]  }
0x2: {  	s1 =	rddreg [dreg:$0x1]  }
0x3: {  	s3 =	rddreg [dreg:$0x2]  }
0x4: {  	s10 =	rddreg [dreg:$0x3]  }
0x5: {  	s0 =	rddreg [dreg:$0x4];
	s5 =	srdreg.scid  }
0x6: {  	s2 =	stileid.u32;
	s4 =	simm.s32 $0x0;
	s14 =	simm.s32 $0xC8  }
0x7: {  	s15 =	simm.s32 $0x300;
	s16 =	simm.s32 $0x100;
	s17 =	simm.s32 $0x6700  }
0x8: {  	s18 =	simm.s32 $0x200;
	s19 =	simm.s32 $0xCB00;
	s8 =	smul.u32 $0x4E20, s2  }
0x9: {  	s20 =	simm.s32 $0x1;
	s7 =	sand.u32 $0x1, s5;
	s11 =	smul.u32 $0x4E200, s2  }
0xa: {  	s21 =	simm.s32 $0x2;
	s22 =	simm.s32 $0x3;
	s9 =	smul.u32 $0x2710, s7  }
0xb: {  	s23 =	simm.s32 $0x0;
	s26 =	ssub.s32 $0x2, s7;
	s7 =	smul.u32 $0x27100, s7  }
0xc: {  	[smem:$0x7FF] =	sst s4;
	s5 =	sadd.s32 $0x2200, s6;
	s28 =	sadd.s32 s11, s6  }
0xd: {  	_ =	strace $0x8000004A;
	s29 =	sshrl.u32 s26, $0x1;
	s31 =	sadd.s32 s7, s28  }
0xe: {  	s8 =	sadd.s32 s9, s8;
	s30 =	ssub.s32 s26, s29;
	s7 =	sadd.s32 $0x23C00, s31  }
0xf: {  	s12 =	sshrl.u32 s8, $0x3;
	s8 =	sadd.s32 $0x505C00, s31;
	s9 =	sadd.s32 $0x9E7C00, s31  }
0x10: {  	s13 =	sadd.s32 s12, s6;
	s6 =	smax.u32 s30, $0x1;
	s10 =	sadd.s32 s12, s10  }
0x11: {  	s11 =	sadd.s32 $0x6200, s13;
	s12 =	sadd.s32 $0x10000, s13;
	s13 =	simm.s32 $0x4  }
.LBB2_1:
0x12: {  	[tilespmem:s4], [sflag:$0x4] =	stream.linear.gather [hbm4b:s12+s4], $0xC8, $0x38;
	[tilespmem:$0x12F00] =	vst v63  }
0x13: {  	_ =	swait.ge [sflag:s13], $0xC8  }
0x14: {  	[sflag:s13] =	ssyncset.done $0x0  }
0x15: {  	[sflag:s13] =	ssyncadd.s32 $0xFFFFFF38  }
0x16: {  	[tilespmem:s15], [sflag:$0x1] =	stream.indirect.gather [hbm4b:s5+s14], $0x80, s4, s14, $0xb8;
	[tilespmem:$0x12F00] =	vst v63  }
0x17: {  	_ = 	snop  }
0x18: {  	[tilespmem:s16], [sflag:$0x4] =	stream.linear.gather [hbm4b:s11+s4], $0xC8, $0x38;
	[tilespmem:$0x12F00] =	vst v63  }
0x19: {  	_ =	swait.ge [sflag:s13], $0xC8  }
0x1a: {  	[sflag:s13] =	ssyncset.done $0x0  }
0x1b: {  	[sflag:s13] =	ssyncadd.s32 $0xFFFFFF38  }
0x1c: {  	[tilespmem:s17], [sflag:$0x2] =	stream.indirect.gather [hbm4b:s1+s14], $0x80, s16, s14, $0xb8;
	[tilespmem:$0x12F00] =	vst v63  }
0x1d: {  	_ = 	snop  }
0x1e: {  	[tilespmem:s18], [sflag:$0x4] =	stream.linear.gather [hbm4b:s10+s4], $0xC8, $0x38;
	[tilespmem:$0x12F00] =	vst v63  }
0x1f: {  	_ =	swait.ge [sflag:s13], $0xC8  }
0x20: {  	[sflag:s13] =	ssyncset.done $0x0  }
0x21: {  	[sflag:s13] =	ssyncadd.s32 $0xFFFFFF38  }
0x22: {  	[tilespmem:s19], [sflag:$0x3] =	stream.indirect.gather [hbm4b:s3+s14], $0x80, s18, s14, $0xb8;
	[tilespmem:$0x12F00] =	vst v63  }
0x23: {  	_ =	swait.ge [sflag:s20], $0x6400  }
0x24: {  	[sflag:s20] =	ssyncset.done $0x0  }
0x25: {  	s24 =	sadd.s32 $0x0, s7;
	[sflag:s20] =	ssyncadd.s32 $0xFFFF9C00  }
0x26: {  	[hbm4b:s24+s4] =	stream.linear.scatter [tilespmem:s15], [sflag:$0x4], $0x6400, $0x38;
	[tilespmem:$0x12F00] =	vst v63  }
0x27: {  	_ =	swait.ge [sflag:s13], $0x6400  }
0x28: {  	[sflag:s13] =	ssyncset.done $0x0  }
0x29: {  	[sflag:s13] =	ssyncadd.s32 $0xFFFF9C00  }
0x2a: {  	_ =	swait.ge [sflag:s21], $0x6400  }
0x2b: {  	[sflag:s21] =	ssyncset.done $0x0  }
0x2c: {  	s30 =	sadd.s32 $0x0, s8;
	[sflag:s21] =	ssyncadd.s32 $0xFFFF9C00  }
0x2d: {  	[hbm4b:s30+s4] =	stream.linear.scatter [tilespmem:s17], [sflag:$0x4], $0x6400, $0x38;
	[tilespmem:$0x12F00] =	vst v63  }
0x2e: {  	_ =	swait.ge [sflag:s13], $0x6400  }
0x2f: {  	[sflag:s13] =	ssyncset.done $0x0  }
0x30: {  	[sflag:s13] =	ssyncadd.s32 $0xFFFF9C00  }
0x31: {  	_ =	swait.ge [sflag:s22], $0x6400  }
0x32: {  	[sflag:s22] =	ssyncset.done $0x0  }
0x33: {  	s31 =	sadd.s32 $0x0, s9;
	[sflag:s22] =	ssyncadd.s32 $0xFFFF9C00  }
0x34: {  	[hbm4b:s31+s4] =	stream.linear.scatter [tilespmem:s19], [sflag:$0x4], $0x6400, $0x38;
	[tilespmem:$0x12F00] =	vst v63  }
0x35: {  	s25 =	sadd.s32 $0x19, s12;
	s26 =	smov.u32 s10;
	_ =	swait.ge [sflag:s13], $0x6400  }
0x36: {  	s28 =	smov.u32 s11;
	s24 =	simm.s32 $0xC80;
	[sflag:s13] =	ssyncset.done $0x0  }
.LBB2_2:
0x37: {  	[sflag:s13] =	ssyncadd.s32 $0xFFFF9C00  }
0x38: {  	s26 =	sadd.s32 $0x19, s26;
	s28 =	sadd.s32 $0x19, s28;
	s29 =	smov.u32 s24  }
0x39: {  	[tilespmem:s4], [sflag:$0x4] =	stream.linear.gather [hbm4b:s25+s4], $0xC8, $0x38;
	[tilespmem:$0x12F00] =	vst v63  }
0x3a: {  	p0 =	sne.s32 s24, $0x26480;
	s24 =	sadd.s32 $0xC80, s24;
	_ =	swait.ge [sflag:s13], $0xC8  }
0x3b: {  	[sflag:s13] =	ssyncset.done $0x0  }
0x3c: {  	[sflag:s13] =	ssyncadd.s32 $0xFFFFFF38  }
0x3d: {  	[tilespmem:s15], [sflag:$0x1] =	stream.indirect.gather [hbm4b:s5+s14], $0x80, s4, s14, $0xb8;
	[tilespmem:$0x12F00] =	vst v63  }
0x3e: {  	_ = 	snop  }
0x3f: {  	[tilespmem:s16], [sflag:$0x4] =	stream.linear.gather [hbm4b:s28+s4], $0xC8, $0x38;
	[tilespmem:$0x12F00] =	vst v63  }
0x40: {  	_ =	swait.ge [sflag:s13], $0xC8  }
0x41: {  	[sflag:s13] =	ssyncset.done $0x0  }
0x42: {  	[sflag:s13] =	ssyncadd.s32 $0xFFFFFF38  }
0x43: {  	[tilespmem:s17], [sflag:$0x2] =	stream.indirect.gather [hbm4b:s1+s14], $0x80, s16, s14, $0xb8;
	[tilespmem:$0x12F00] =	vst v63  }
0x44: {  	_ = 	snop  }
0x45: {  	[tilespmem:s18], [sflag:$0x4] =	stream.linear.gather [hbm4b:s26+s4], $0xC8, $0x38;
	[tilespmem:$0x12F00] =	vst v63  }
0x46: {  	_ =	swait.ge [sflag:s13], $0xC8  }
0x47: {  	[sflag:s13] =	ssyncset.done $0x0  }
0x48: {  	[sflag:s13] =	ssyncadd.s32 $0xFFFFFF38  }
0x49: {  	[tilespmem:s19], [sflag:$0x3] =	stream.indirect.gather [hbm4b:s3+s14], $0x80, s18, s14, $0xb8;
	[tilespmem:$0x12F00] =	vst v63  }
0x4a: {  	_ =	swait.ge [sflag:s20], $0x6400  }
0x4b: {  	[sflag:s20] =	ssyncset.done $0x0  }
0x4c: {  	s30 =	sadd.s32 s29, s7;
	[sflag:s20] =	ssyncadd.s32 $0xFFFF9C00  }
0x4d: {  	[hbm4b:s30+s4] =	stream.linear.scatter [tilespmem:s15], [sflag:$0x4], $0x6400, $0x38;
	[tilespmem:$0x12F00] =	vst v63  }
0x4e: {  	_ =	swait.ge [sflag:s13], $0x6400  }
0x4f: {  	[sflag:s13] =	ssyncset.done $0x0  }
0x50: {  	[sflag:s13] =	ssyncadd.s32 $0xFFFF9C00  }
0x51: {  	_ =	swait.ge [sflag:s21], $0x6400  }
0x52: {  	[sflag:s21] =	ssyncset.done $0x0  }
0x53: {  	s30 =	sadd.s32 s29, s8;
	[sflag:s21] =	ssyncadd.s32 $0xFFFF9C00  }
0x54: {  	[hbm4b:s30+s4] =	stream.linear.scatter [tilespmem:s17], [sflag:$0x4], $0x6400, $0x38;
	[tilespmem:$0x12F00] =	vst v63  }
0x55: {  	_ =	swait.ge [sflag:s13], $0x6400  }
0x56: {  	[sflag:s13] =	ssyncset.done $0x0  }
0x57: {  	[sflag:s13] =	ssyncadd.s32 $0xFFFF9C00  }
0x58: {  	_ =	swait.ge [sflag:s22], $0x6400  }
.Ltmp0:
0x59: {  	[sflag:s22] =	ssyncset.done $0x0;
	(pc) =	sbr.rel @p0 .LBB2_2-.Ltmp0, $4  }
0x5a: {  	s29 =	sadd.s32 s29, s9;
	[sflag:s22] =	ssyncadd.s32 $0xFFFF9C00  }
0x5b: {  	[hbm4b:s29+s4] =	stream.linear.scatter [tilespmem:s19], [sflag:$0x4], $0x6400, $0x38;
	[tilespmem:$0x12F00] =	vst v63  }
0x5c: {  	_ =	swait.ge [sflag:s13], $0x6400  }
0x5d: {  	s25 =	sadd.s32 $0x19, s25;
	[sflag:s13] =	ssyncset.done $0x0  }
0x5e: {  	s23 =	sadd.s32 $0x1, s23  }
0x5f: {  	p0 =	sne.s32 s23, s6  }
.Ltmp1:
0x60: {  	_ = 	snop;
	(pc) =	sbr.rel @p0 .LBB2_1-.Ltmp1, $2  }
0x61: {  	_ =	sdelay $0x2  }
0x62: {  	[sflag:s13] =	ssyncadd.s32 $0xFFFF9C00  }
0x63: {  	_ =	sfence.sel $0x180000  }
0x64: {  	[bflag:$0x0] =	sbarrier.arrive $0xFFFF  }
0x65: {  	p0 =	sne.s32 s2, $0x0;
	_ =	strace $0x9000004A  }
0x66: {  	s0 =	sadd.s32 @!p0 $0x100000, s0;
	[bflag:$0x2] =	sbarrier.arrive $0xFFFF  }
0x67: {  	[sflag:s0] =	ssyncadd.tile.s32 @!p0 $0x1;
	_ =	shalt  }
.Lfunc_end2:
_tile_overlayer_lowered:
.L_overlay_start_2:
0x68: {  	(tag) =	ssettag $0x2  }
0x69: {  	s0 =	rddreg [dreg:$0x0];
	s2 =	stileid.u32  }
0x6a: {  	s1 =	rddreg [dreg:$0x1];
	p0 =	sne.s32 s2, $0x0  }
0x6b: {  	s3 =	rddreg [dreg:$0x2];
	[bflag:$0x3] =	sbarrier.arrive $0xFFFF;
	s2 =	simm.s32 @!p0 $0x1C04  }
0x6c: {  	[timem:s3], [sflag:s2] =	dma.local @!p0 [hbm:s0], s1  }
0x6d: {  	s0 =	simm.s32 @!p0 $0x4  }
0x6e: {  	_ =	swait.ge @!p0 [sflag:s0], s1  }
0x6f: {  	s1 =	ssub.s32 @!p0 $0x0, s1;
	[sflag:s0] =	ssyncset.done @!p0 $0x0  }
0x70: {  	[sflag:s0] =	ssyncadd.s32 @!p0 s1  }
0x71: {  	[bflag:$0x3] =	sbarrier.arrive $0xFFFF  }
0x72: {  	_ =	shalt  }

// kernel: kernel.13.cloned.1.call-start
scs
__scs_entry_jumppad:
0x0: {  	(pc) =	sbr.rel $0x88, $3  }
0x1: {  	(tag) =	ssettag $0x0;
	lr =	simm.s32 $0x1  }
0x2: {  	[smem:$0x3F97] =	sst lr;
	_ =	strace $0xD0000000  }
0x3: {  	_ = 	snop  }
0x4: {  	_ = 	snop  }
0x5: {  	_ = 	snop  }
0x6: {  	_ = 	snop  }
0x7: {  	_ = 	snop  }
__scs_overlays_trampoline_lowered:
0x8: {  	[smem:$0x3FA6] =	sst s0  }
0x9: {  	[smem:$0x3FA7] =	sst s1  }
0xa: {  	[smem:$0x3FA8] =	sst s2  }
0xb: {  	[smem:$0x3FA9] =	sst s3  }
0xc: {  	[smem:$0x3FAA] =	sst s4  }
0xd: {  	[smem:$0x3FAB] =	sst s5  }
0xe: {  	[smem:$0x3FAC] =	sst s6  }
0xf: {  	[smem:$0x3FAD] =	sst s7  }
0x10: {  	[smem:$0x3FAE] =	sst s8  }
0x11: {  	[smem:$0x3FAF] =	sst s9;
	s0 =	simm.s32 @!p0 $0x0  }
0x12: {  	s1 =	sld [smem:$0x3F95];
	s0 =	simm.s32 @p0 $0x1  }
0x13: {  	[smem:$0x3FB0] =	sst s0;
	s0 =	simm.s32 @!p1 $0x0  }
0x14: {  	s2 =	sld [smem:$0x3F94];
	s0 =	simm.s32 @p1 $0x1  }
0x15: {  	[smem:$0x3FB1] =	sst s0;
	s0 =	simm.s32 @!p2 $0x0  }
0x16: {  	s3 =	sld [smem:$0x3FDB];
	s0 =	simm.s32 @p2 $0x1  }
0x17: {  	s4 =	simm.s32 $0x1BF5;
	[smem:$0x3FB3] =	sst s0  }
0x18: {  	s0 =	sld [smem:$0x3F96];
	_ =	swait.ge [sflag:s4], $0x0  }
0x19: {  	s7 =	sld [smem:$0x3F97]  }
0x1a: {  	s8 =	sadd.s32 $0xFFFFE003, lr  }
0x1b: {  	s9 =	sadd.s32 $0xFFFFFEF7, lr;
	s5 =	simm.s32 $0xFFFFFFFF;
	p2 =	slt.u32 s8, $0xFFFFF086  }
0x1c: {  	p1 =	slt.u32 s9, $0xF7A;
	s5 =	simm.s32 @!p2 $0x0  }
0x1d: {  	s5 =	simm.s32 @p1 $0x1;
	p0 =	seq.s32 s7, s2  }
0x1e: {  	s7 =	smul.u32 @!p0 $0xF7A, s2;
	p2 =	seq.s32 @!p0 s5, $0x0  }
0x1f: {  	s9 =	smul.u32 $0xF7A, s1;
	s8 =	simm.s32 @!p0 $0x1BF5;
	p2 =	por !p2, p0  }
0x20: {  	[sflag:s8] =	ssyncset.s32 @!p0 $0xFFFFF086;
	s6 =	sadd.s32 @!p0 s3, s7;
	s7 =	simm.s32 @!p0 $0x108  }
0x21: {  	s3 =	sadd.s32 s3, s9;
	s6 =	sadd.s32 @!p0 $0x88, s6;
	s7 =	simm.s32 @p2 $0x1082  }
0x22: {  	[simem:s7], [sflag:s8] =	dma.local @!p0 [hbm:s6], $0xF7A  }
0x23: {  	s9 =	sor.u32 $0xD0000000, s2;
	s6 =	simm.s32 $0x108;
	_ =	swait.ge @!p0 [sflag:s8], $0x0  }
0x24: {  	s3 =	sadd.s32 $0x88, s3;
	s6 =	simm.s32 @!p1 $0x1082;
	[sflag:s4] =	ssyncset.s32 $0xFFFFF086  }
0x25: {  	[simem:s6], [sflag:s4] =	dma.local [hbm:s3], $0xF7A  }
0x26: {  	[smem:$0x3F97] =	sst s1;
	(tag) =	ssettag s2;
	_ =	strace s9  }
0x27: {  	s1 =	sld [smem:$0x3FA7]  }
0x28: {  	s2 =	sld [smem:$0x3FA8]  }
0x29: {  	s4 =	sld [smem:$0x3FAA]  }
0x2a: {  	p0 =	seq.s32 s5, $0x0;
	s5 =	sld [smem:$0x3FAB]  }
0x2b: {  	s6 =	sld [smem:$0x3FAC]  }
0x2c: {  	s7 =	sld [smem:$0x3FAD]  }
0x2d: {  	s3 =	simm.s32 $0x108;
	s8 =	sld [smem:$0x3FAE]  }
0x2e: {  	s3 =	simm.s32 @!p0 $0x1082;
	s9 =	sld [smem:$0x3FAF]  }
0x2f: {  	lr =	sadd.s32 s0, s3;
	s0 =	sld [smem:$0x3FA6]  }
0x30: {  	s3 =	sld [smem:$0x3FA9]  }
0x31: {  	[smem:$0x3FB2] =	sst s10  }
0x32: {  	s10 =	sld [smem:$0x3FB0];
	_ =	sdelay $0x3  }
0x33: {  	p0 =	seq.s32 s10, $0x1;
	s10 =	sld [smem:$0x3FB2];
	_ =	sdelay $0x3  }
0x34: {  	[smem:$0x3FB2] =	sst s10  }
0x35: {  	s10 =	sld [smem:$0x3FB1];
	_ =	sdelay $0x3  }
0x36: {  	p1 =	seq.s32 s10, $0x1;
	s10 =	sld [smem:$0x3FB2];
	_ =	sdelay $0x3  }
0x37: {  	[smem:$0x3FB2] =	sst s10  }
0x38: {  	s10 =	sld [smem:$0x3FB3]  }
0x39: {  	_ = 	snop;
	(pc) =	sbr.ind lr, $3  }
0x3a: {  	_ = 	snop  }
0x3b: {  	_ = 	snop  }
0x3c: {  	p2 =	seq.s32 s10, $0x1;
	s10 =	sld [smem:$0x3FB2]  }
0x3d: {  	_ =	shalt  }
0x3e: {  	_ =	shalt  }
0x3f: {  	_ =	shalt  }
0x40: {  	_ =	shalt  }
0x41: {  	_ =	shalt  }
0x42: {  	_ =	shalt  }
0x43: {  	_ =	shalt  }
0x44: {  	_ =	shalt  }
0x45: {  	_ =	shalt  }
0x46: {  	_ =	shalt  }
0x47: {  	_ =	shalt  }
0x48: {  	_ =	shalt  }
0x49: {  	_ =	shalt  }
0x4a: {  	_ =	shalt  }
0x4b: {  	_ =	shalt  }
0x4c: {  	_ =	shalt  }
0x4d: {  	_ =	shalt  }
0x4e: {  	_ =	shalt  }
0x4f: {  	_ =	shalt  }
0x50: {  	_ =	shalt  }
0x51: {  	_ =	shalt  }
0x52: {  	_ =	shalt  }
0x53: {  	_ =	shalt  }
0x54: {  	_ =	shalt  }
0x55: {  	_ =	shalt  }
0x56: {  	_ =	shalt  }
0x57: {  	_ =	shalt  }
0x58: {  	_ =	shalt  }
0x59: {  	_ =	shalt  }
0x5a: {  	_ =	shalt  }
0x5b: {  	_ =	shalt  }
0x5c: {  	_ =	shalt  }
0x5d: {  	_ =	shalt  }
0x5e: {  	_ =	shalt  }
0x5f: {  	_ =	shalt  }
0x60: {  	_ =	shalt  }
0x61: {  	_ =	shalt  }
0x62: {  	_ =	shalt  }
0x63: {  	_ =	shalt  }
0x64: {  	_ =	shalt  }
0x65: {  	_ =	shalt  }
0x66: {  	_ =	shalt  }
0x67: {  	_ =	shalt  }
0x68: {  	_ =	shalt  }
0x69: {  	_ =	shalt  }
0x6a: {  	_ =	shalt  }
0x6b: {  	_ =	shalt  }
0x6c: {  	_ =	shalt  }
0x6d: {  	_ =	shalt  }
0x6e: {  	_ =	shalt  }
0x6f: {  	_ =	shalt  }
0x70: {  	_ =	shalt  }
0x71: {  	_ =	shalt  }
0x72: {  	_ =	shalt  }
0x73: {  	_ =	shalt  }
0x74: {  	_ =	shalt  }
0x75: {  	_ =	shalt  }
0x76: {  	_ =	shalt  }
0x77: {  	_ =	shalt  }
0x78: {  	_ =	shalt  }
0x79: {  	_ =	shalt  }
0x7a: {  	_ =	shalt  }
0x7b: {  	_ =	shalt  }
0x7c: {  	_ =	shalt  }
0x7d: {  	_ =	shalt  }
0x7e: {  	_ =	shalt  }
0x7f: {  	_ =	shalt  }
0x80: {  	_ =	shalt  }
0x81: {  	_ =	shalt  }
0x82: {  	_ =	shalt  }
0x83: {  	_ =	shalt  }
0x84: {  	_ =	shalt  }
0x85: {  	_ =	shalt  }
0x86: {  	_ =	shalt  }
0x87: {  	_ =	shalt  }
.Lfunc_end0:
.L_simem_size_0:
called_computation.2_lowered:
.L_overlay_start_0:
0x88: {  	s2 =	sld [smem:$0x3FD9]  }
0x89: {  	s3 =	sld [smem:$0x3FFE];
	_ =	sdelay $0x1  }
0x8a: {  	s1 =	srdreg.scid  }
0x8b: {  	s0 =	sand.u32 $0x1, s1  }
0x8c: {  	s17 =	sshll.u32 s0, $0xA;
	s2 =	sadd.s32 s3, s2  }
0x8d: {  	s2 =	sadd.s32 s2, s17  }
0x8e: {  	[smem:$0x3FBE] =	sst s2  }
0x8f: {  	_ = 	snop  }
0x90: {  	s2 =	sld [smem:$0x3FD0];
	(tm) =	ssettm $0x1  }
0x91: {  	s18 =	sld [smem:$0x3FFB];
	_ =	sdelay $0x3  }
0x92: {  	_ =	strace s18  }
0x93: {  	s3 =	sld [smem:$0x3FFC];
	_ =	sdelay $0x3  }
0x94: {  	_ =	strace s3  }
0x95: {  	s3 =	sld [smem:$0x3FFD];
	_ =	sdelay $0x3  }
0x96: {  	_ =	strace s3  }
0x97: {  	_ =	strace $0x8FFFFFFF  }
0x98: {  	s19 =	sld [smem:$0x3FDB];
	_ =	sdelay $0x1  }
0x99: {  	s4 =	simm.s32 $_scs_section_size  }
0x9a: {  	s5 =	simm.s32 $_size__tile_overlayer_lowered;
	s6 =	simm.s32 $_tile_overlayer_lowered  }
0x9b: {  	s22 =	simm.s32 $0x1BFF;
	s21 =	sshll.u32 s6, $0x1;
	s3 =	sadd.s32 s4, s19  }
0x9c: {  	s7 =	simm.s32 $0x0;
	s20 =	sshll.u32 s5, $0x1;
	s5 =	sadd.s32 s21, s3  }
0x9d: {  	[timem:s7], [sflag:s22] =	dma.local [hbm:s5], s20  }
0x9e: {  	_ =	swait.ge [sflag:s22], s20  }
0x9f: {  	s4 =	ssub.s32 $0x0, s20;
	[sflag:s22] =	ssyncset.done $0x0  }
0xa0: {  	[sflag:s22] =	ssyncadd.s32 s4;
	_ =	sdelay $0x1  }
0xa1: {  	s23 =	simm.s32 $0x1B8B  }
0xa2: {  	_ =	swait.ge [sflag:s23], $0x1  }
0xa3: {  	[sflag:s23] =	ssyncset.done $0x0  }
0xa4: {  	s25 =	simm.s32 $0x1B8E;
	s24 =	sld [smem:$0x3FFE];
	[sflag:s23] =	ssyncadd.s32 $0xFFFFFFFF  }
0xa5: {  	s26 =	simm.s32 $execute0_lowered;
	[smem:$0x3FD2] =	sst s25  }
0xa6: {  	s5 =	sshll.u32 s26, $0x1;
	_ =	strace $0x8000004C;
	[dreg:$0x1] =	wrdreg $0xFFFFFFFF  }
0xa7: {  	s28 =	simm.s32 $_size_execute0_lowered;
	s3 =	sadd.s32 s3, s5;
	[dreg:$0x0] =	wrdreg $0x0  }
0xa8: {  	s5 =	sshll.u32 s28, $0x1;
	[dreg:$0x2] =	wrdreg s3  }
0xa9: {  	[dreg:$0x3] =	wrdreg s5  }
0xaa: {  	[dreg:$0x4] =	wrdreg $0xC0  }
0xab: {  	_ =	task [dreg:s7], $0x5FFFF  }
0xac: {  	[dreg:$0x1] =	wrdreg $0xFFFFFFFF  }
0xad: {  	[dreg:$0x0] =	wrdreg $0x60  }
0xae: {  	[dreg:$0x2] =	wrdreg s24  }
0xaf: {  	[dreg:$0x3] =	wrdreg s2  }
0xb0: {  	[dreg:$0x4] =	wrdreg $0xCA000  }
0xb1: {  	[dreg:$0x5] =	wrdreg $0x9  }
0xb2: {  	_ =	task.clear_ibuf [dreg:s7], $0x6FFFF;
	_ =	strace $0x9000004C  }
0xb3: {  	s29 =	simm.s32 $0x9;
	_ =	strace $0x8000004E  }
0xb4: {  	_ =	swait.ge [sflag:s29], $0x1  }
0xb5: {  	[sflag:s29] =	ssyncadd.s32 $0xFFFFFFFF  }
0xb6: {  	_ =	strace $0x9000004E  }
0xb7: {  	_ =	sfence  }
0xb8: {  	s30 =	sld [smem:$0x0];
	_ =	sdelay $0x2  }
0xb9: {  	s31 =	sshll.u32 s1, $0xD;
	s1 =	sshrl.u32 s1, $0x2  }
0xba: {  	s3 =	sand.u32 $0x4000, s31;
	s1 =	sadd.s32 s1, s30  }
0xbb: {  	s0 =	sor.u32 s3, s0;
	s1 =	sshll.u32 s1, $0x11  }
0xbc: {  	s0 =	sor.u32 s1, s0  }
0xbd: {  	s0 =	sadd.s32 $0x8F2B, s0  }
0xbe: {  	[sflag:s0] =	ssyncadd.remote.s32 $0x1  }
0xbf: {  	_ =	sfence.sel $0xFFFF  }
0xc0: {  	[dreg:$0x0] =	wrdreg $0xFFFFFFFF;
	(pc) =	sbr.abs _section_cstart, $3  }
0xc1: {  	[dreg:$0x1] =	wrdreg $0xFFFFFFFF  }
0xc2: {  	_ =	task.clear_ibuf [dreg:s7], $0x2FFFF;
	_ =	strace $0x9FFFFFFF  }
0xc3: {  	(tm) =	ssettm $0x7FFFFFFF  }
tec
execute0_lowered:
.L_overlay_start_1:
0x0: {  	(tag) =	ssettag $0x1  }
0x1: {  	s6 =	rddreg [dreg:$0x0]  }
0x2: {  	s7 =	rddreg [dreg:$0x1]  }
0x3: {  	s1 =	rddreg [dreg:$0x2];
	s2 =	srdreg.scid  }
0x4: {  	s0 =	rddreg [dreg:$0x3];
	s3 =	simm.s32 $0x0;
	s8 =	sand.u32 $0x1, s2  }
0x5: {  	s16 =	simm.s32 $0x0;
	s2 =	stileid.u32;
	s14 =	smul.u32 $0x1400, s8  }
0x6: {  	s20 =	simm.s32 $0x0;
	[smem:$0x7FF] =	sst s3;
	s9 =	smul.u32 $0x140, s2  }
0x7: {  	s4 =	sadd.s32 $0xEC9C00, s6;
	s5 =	sadd.s32 $0x19E00, s6;
	s10 =	smul.u32 $0x29000, s2  }
0x8: {  	_ =	strace $0x8000004D;
	s8 =	ssub.s32 $0x2, s8;
	s11 =	smul.u32 $0x1480, s2  }
0x9: {  	s30 =	smul.u32 $0x28000, s2;
	s31 =	sshll.u32 s2, $0x6;
	s28 =	sshrl.u32 s8, $0x1  }
0xa: {  	s9 =	sadd.s32 s9, s14;
	s12 =	ssub.s32 s8, s28;
	s29 =	sshrl.u32 s10, $0x2  }
0xb: {  	s8 =	smul.u32 $0x4E20, s2;
	s10 =	sshrl.u32 s30, $0x2;
	v0 =	vmov s14;
	s14 =	simm.s32 $0x190  }
0xc: {  	s9 =	sshll.u32 s9, $0x4;
	s13 =	sadd.s32 s29, s1;
	s15 =	sadd.s32 s10, s1  }
0xd: {  	s10 =	smax.u32 s12, $0x1;
	s12 =	simm.s32 $0x1;
	s9 =	sadd.s32 s9, s6  }
0xe: {  	s6 =	sadd.s32 s7, s11;
	s7 =	sor.u32 $0x1C01, s31;
	s11 =	sshrl.u32 s13, $0x3  }
0xf: {  	s13 =	simm.s32 $0x200;
	s15 =	sshrl.u32 s15, $0x3;
	s9 =	sadd.s32 $0x23C00, s9  }
.LBB2_1:
0x10: {  	[spmem:s11], [sflag:s7] =	dma.local [hbm:s6], $0x1480  }
0x11: {  	_ =	swait.ge [sflag:s12], $0x1480  }
0x12: {  	[sflag:s12] =	ssyncset.done $0x0  }
0x13: {  	[sflag:s12] =	ssyncadd.s32 $0xFFFFEB80  }
0x14: {  	s17 =	simm.s32 $0x0;
	[bflag:$0x0] =	sbarrier.arrive $0xFFFF  }
.LBB2_2:
0x15: {  	s18 =	smul.u32 $0x190, s17;
	_ =	sdelay $0x1  }
0x16: {  	s18 =	sadd.s32 s8, s18  }
0x17: {  	s19 =	sshrl.u32 s18, $0x3  }
0x18: {  	s19 =	sadd.s32 s5, s19  }
0x19: {  	[tilespmem:s20], [sflag:$0x1] =	stream.linear.gather [hbm4b:s19+s20], $0x190, $0x38;
	[tilespmem:$0x16E00] =	vst v63  }
0x1a: {  	_ =	swait.ge [sflag:s12], $0x190  }
0x1b: {  	s18 =	sshll.u32 s18, $0x4;
	[sflag:s12] =	ssyncset.done $0x0  }
0x1c: {  	s18 =	sadd.s32 s4, s18;
	[sflag:s12] =	ssyncadd.s32 $0xFFFFFE70  }
0x1d: {  	[tilespmem:s13], [sflag:$0x1] =	stream.linear.gather [hbm4b:s18+s20], $0xC800, $0x38;
	[tilespmem:$0x16E00] =	vst v63  }
0x1e: {  	_ =	swait.ge [sflag:s12], $0xC800  }
0x1f: {  	[sflag:s12] =	ssyncset.done $0x0  }
0x20: {  	s19 =	simm.s32 $0x40;
	s18 =	simm.s32 $0x0;
	[sflag:s12] =	ssyncadd.s32 $0xFFFF3800  }
.LBB2_3:
0x21: {  	p0 =	sne.s32 s19, $0x600;
	v1 =	vld [tilespmem:s18+$0x0];
	_ =	sdelay $0x2  }
.Ltmp0:
0x22: {  	(pc) =	sbr.rel @p0 .LBB2_3-.Ltmp0, $4  }
0x23: {  	_ = 	snop  }
0x24: {  	v1 =	vsub.s32 v1, v0  }
0x25: {  	v1 =	vmin.u32 v1, $0x1400  }
0x26: {  	[tilespmem:s18+$0x0] =	vst v1;
	s18 =	sshra.s32 s19, $0x2;
	s19 =	sadd.s32 $0x40, s19  }
0x27: {  	v1 =	vld [tilespmem:s18+$0x0];
	_ =	sdelay $0x4  }
0x28: {  	s17 =	sadd.s32 $0x1, s17;
	v1 =	vsub.s32 v1, v0  }
0x29: {  	p0 =	sne.s32 s17, $0x32;
	v1 =	vmin.u32 v1, $0x1400  }
.Ltmp1:
0x2a: {  	[tilespmem:s18+$0x0] =	vst v1;
	(pc) =	sbr.rel @p0 .LBB2_2-.Ltmp1, $4  }
0x2b: {  	[spmem:s1] =	stream.indirect.scatter.add.f32 [tilespmem:s13], [sflag:$0x1], $0x80, s3, s14, $0xb8;
	[tilespmem:$0x16E00] =	vst v63  }
0x2c: {  	_ =	swait.ge [sflag:s12], $0xC800  }
0x2d: {  	[sflag:s12] =	ssyncset.done $0x0  }
0x2e: {  	[sflag:s12] =	ssyncadd.s32 $0xFFFF3800  }
0x2f: {  	s16 =	sadd.s32 $0x1, s16  }
0x30: {  	p0 =	sne.s32 s16, s10  }
.Ltmp2:
0x31: {  	[bflag:$0x0] =	sbarrier.arrive $0xFFFF;
	(pc) =	sbr.rel @p0 .LBB2_1-.Ltmp2, $4  }
0x32: {  	[hbm:s9], [sflag:s7] =	dma.local [spmem:s15], $0x1400  }
0x33: {  	_ =	swait.ge [sflag:s12], $0x1400  }
0x34: {  	[sflag:s12] =	ssyncset.done $0x0  }
0x35: {  	[sflag:s12] =	ssyncadd.s32 $0xFFFFEC00  }
0x36: {  	_ =	sfence.sel $0x180000  }
0x37: {  	[bflag:$0x0] =	sbarrier.arrive $0xFFFF  }
0x38: {  	p0 =	sne.s32 s2, $0x0;
	_ =	strace $0x9000004D  }
0x39: {  	s0 =	sadd.s32 @!p0 $0x100000, s0;
	[bflag:$0x2] =	sbarrier.arrive $0xFFFF  }
0x3a: {  	[sflag:s0] =	ssyncadd.tile.s32 @!p0 $0x1;
	_ =	shalt  }
.Lfunc_end2:
_tile_overlayer_lowered:
.L_overlay_start_2:
0x3b: {  	(tag) =	ssettag $0x2  }
0x3c: {  	s0 =	rddreg [dreg:$0x0];
	s2 =	stileid.u32  }
0x3d: {  	s1 =	rddreg [dreg:$0x1];
	p0 =	sne.s32 s2, $0x0  }
0x3e: {  	s3 =	rddreg [dreg:$0x2];
	[bflag:$0x3] =	sbarrier.arrive $0xFFFF;
	s2 =	simm.s32 @!p0 $0x1C01  }
0x3f: {  	[timem:s3], [sflag:s2] =	dma.local @!p0 [hbm:s0], s1  }
0x40: {  	s0 =	simm.s32 @!p0 $0x1  }
0x41: {  	_ =	swait.ge @!p0 [sflag:s0], s1  }
0x42: {  	s1 =	ssub.s32 @!p0 $0x0, s1;
	[sflag:s0] =	ssyncset.done @!p0 $0x0  }
0x43: {  	[sflag:s0] =	ssyncadd.s32 @!p0 s1  }
0x44: {  	[bflag:$0x3] =	sbarrier.arrive $0xFFFF  }
0x45: {  	_ =	shalt  }

// kernel: kernel.7.cloned.1.call-start
scs
__scs_entry_jumppad:
0x0: {  	(pc) =	sbr.rel $0x88, $3  }
0x1: {  	(tag) =	ssettag $0x0;
	lr =	simm.s32 $0x1  }
0x2: {  	[smem:$0x3F97] =	sst lr;
	_ =	strace $0xD0000000  }
0x3: {  	_ = 	snop  }
0x4: {  	_ = 	snop  }
0x5: {  	_ = 	snop  }
0x6: {  	_ = 	snop  }
0x7: {  	_ = 	snop  }
__scs_overlays_trampoline_lowered:
0x8: {  	[smem:$0x3FA6] =	sst s0  }
0x9: {  	[smem:$0x3FA7] =	sst s1  }
0xa: {  	[smem:$0x3FA8] =	sst s2  }
0xb: {  	[smem:$0x3FA9] =	sst s3  }
0xc: {  	[smem:$0x3FAA] =	sst s4  }
0xd: {  	[smem:$0x3FAB] =	sst s5  }
0xe: {  	[smem:$0x3FAC] =	sst s6  }
0xf: {  	[smem:$0x3FAD] =	sst s7  }
0x10: {  	[smem:$0x3FAE] =	sst s8  }
0x11: {  	[smem:$0x3FAF] =	sst s9;
	s0 =	simm.s32 @!p0 $0x0  }
0x12: {  	s1 =	sld [smem:$0x3F95];
	s0 =	simm.s32 @p0 $0x1  }
0x13: {  	[smem:$0x3FB0] =	sst s0;
	s0 =	simm.s32 @!p1 $0x0  }
0x14: {  	s2 =	sld [smem:$0x3F94];
	s0 =	simm.s32 @p1 $0x1  }
0x15: {  	[smem:$0x3FB1] =	sst s0;
	s0 =	simm.s32 @!p2 $0x0  }
0x16: {  	s3 =	sld [smem:$0x3FDB];
	s0 =	simm.s32 @p2 $0x1  }
0x17: {  	s4 =	simm.s32 $0x1BF5;
	[smem:$0x3FB3] =	sst s0  }
0x18: {  	s0 =	sld [smem:$0x3F96];
	_ =	swait.ge [sflag:s4], $0x0  }
0x19: {  	s7 =	sld [smem:$0x3F97]  }
0x1a: {  	s8 =	sadd.s32 $0xFFFFE003, lr  }
0x1b: {  	s9 =	sadd.s32 $0xFFFFFEF7, lr;
	s5 =	simm.s32 $0xFFFFFFFF;
	p2 =	slt.u32 s8, $0xFFFFF086  }
0x1c: {  	p1 =	slt.u32 s9, $0xF7A;
	s5 =	simm.s32 @!p2 $0x0  }
0x1d: {  	s5 =	simm.s32 @p1 $0x1;
	p0 =	seq.s32 s7, s2  }
0x1e: {  	s7 =	smul.u32 @!p0 $0xF7A, s2;
	p2 =	seq.s32 @!p0 s5, $0x0  }
0x1f: {  	s9 =	smul.u32 $0xF7A, s1;
	s8 =	simm.s32 @!p0 $0x1BF5;
	p2 =	por !p2, p0  }
0x20: {  	[sflag:s8] =	ssyncset.s32 @!p0 $0xFFFFF086;
	s6 =	sadd.s32 @!p0 s3, s7;
	s7 =	simm.s32 @!p0 $0x108  }
0x21: {  	s3 =	sadd.s32 s3, s9;
	s6 =	sadd.s32 @!p0 $0x88, s6;
	s7 =	simm.s32 @p2 $0x1082  }
0x22: {  	[simem:s7], [sflag:s8] =	dma.local @!p0 [hbm:s6], $0xF7A  }
0x23: {  	s9 =	sor.u32 $0xD0000000, s2;
	s6 =	simm.s32 $0x108;
	_ =	swait.ge @!p0 [sflag:s8], $0x0  }
0x24: {  	s3 =	sadd.s32 $0x88, s3;
	s6 =	simm.s32 @!p1 $0x1082;
	[sflag:s4] =	ssyncset.s32 $0xFFFFF086  }
0x25: {  	[simem:s6], [sflag:s4] =	dma.local [hbm:s3], $0xF7A  }
0x26: {  	[smem:$0x3F97] =	sst s1;
	(tag) =	ssettag s2;
	_ =	strace s9  }
0x27: {  	s1 =	sld [smem:$0x3FA7]  }
0x28: {  	s2 =	sld [smem:$0x3FA8]  }
0x29: {  	s4 =	sld [smem:$0x3FAA]  }
0x2a: {  	p0 =	seq.s32 s5, $0x0;
	s5 =	sld [smem:$0x3FAB]  }
0x2b: {  	s6 =	sld [smem:$0x3FAC]  }
0x2c: {  	s7 =	sld [smem:$0x3FAD]  }
0x2d: {  	s3 =	simm.s32 $0x108;
	s8 =	sld [smem:$0x3FAE]  }
0x2e: {  	s3 =	simm.s32 @!p0 $0x1082;
	s9 =	sld [smem:$0x3FAF]  }
0x2f: {  	lr =	sadd.s32 s0, s3;
	s0 =	sld [smem:$0x3FA6]  }
0x30: {  	s3 =	sld [smem:$0x3FA9]  }
0x31: {  	[smem:$0x3FB2] =	sst s10  }
0x32: {  	s10 =	sld [smem:$0x3FB0];
	_ =	sdelay $0x3  }
0x33: {  	p0 =	seq.s32 s10, $0x1;
	s10 =	sld [smem:$0x3FB2];
	_ =	sdelay $0x3  }
0x34: {  	[smem:$0x3FB2] =	sst s10  }
0x35: {  	s10 =	sld [smem:$0x3FB1];
	_ =	sdelay $0x3  }
0x36: {  	p1 =	seq.s32 s10, $0x1;
	s10 =	sld [smem:$0x3FB2];
	_ =	sdelay $0x3  }
0x37: {  	[smem:$0x3FB2] =	sst s10  }
0x38: {  	s10 =	sld [smem:$0x3FB3]  }
0x39: {  	_ = 	snop;
	(pc) =	sbr.ind lr, $3  }
0x3a: {  	_ = 	snop  }
0x3b: {  	_ = 	snop  }
0x3c: {  	p2 =	seq.s32 s10, $0x1;
	s10 =	sld [smem:$0x3FB2]  }
0x3d: {  	_ =	shalt  }
0x3e: {  	_ =	shalt  }
0x3f: {  	_ =	shalt  }
0x40: {  	_ =	shalt  }
0x41: {  	_ =	shalt  }
0x42: {  	_ =	shalt  }
0x43: {  	_ =	shalt  }
0x44: {  	_ =	shalt  }
0x45: {  	_ =	shalt  }
0x46: {  	_ =	shalt  }
0x47: {  	_ =	shalt  }
0x48: {  	_ =	shalt  }
0x49: {  	_ =	shalt  }
0x4a: {  	_ =	shalt  }
0x4b: {  	_ =	shalt  }
0x4c: {  	_ =	shalt  }
0x4d: {  	_ =	shalt  }
0x4e: {  	_ =	shalt  }
0x4f: {  	_ =	shalt  }
0x50: {  	_ =	shalt  }
0x51: {  	_ =	shalt  }
0x52: {  	_ =	shalt  }
0x53: {  	_ =	shalt  }
0x54: {  	_ =	shalt  }
0x55: {  	_ =	shalt  }
0x56: {  	_ =	shalt  }
0x57: {  	_ =	shalt  }
0x58: {  	_ =	shalt  }
0x59: {  	_ =	shalt  }
0x5a: {  	_ =	shalt  }
0x5b: {  	_ =	shalt  }
0x5c: {  	_ =	shalt  }
0x5d: {  	_ =	shalt  }
0x5e: {  	_ =	shalt  }
0x5f: {  	_ =	shalt  }
0x60: {  	_ =	shalt  }
0x61: {  	_ =	shalt  }
0x62: {  	_ =	shalt  }
0x63: {  	_ =	shalt  }
0x64: {  	_ =	shalt  }
0x65: {  	_ =	shalt  }
0x66: {  	_ =	shalt  }
0x67: {  	_ =	shalt  }
0x68: {  	_ =	shalt  }
0x69: {  	_ =	shalt  }
0x6a: {  	_ =	shalt  }
0x6b: {  	_ =	shalt  }
0x6c: {  	_ =	shalt  }
0x6d: {  	_ =	shalt  }
0x6e: {  	_ =	shalt  }
0x6f: {  	_ =	shalt  }
0x70: {  	_ =	shalt  }
0x71: {  	_ =	shalt  }
0x72: {  	_ =	shalt  }
0x73: {  	_ =	shalt  }
0x74: {  	_ =	shalt  }
0x75: {  	_ =	shalt  }
0x76: {  	_ =	shalt  }
0x77: {  	_ =	shalt  }
0x78: {  	_ =	shalt  }
0x79: {  	_ =	shalt  }
0x7a: {  	_ =	shalt  }
0x7b: {  	_ =	shalt  }
0x7c: {  	_ =	shalt  }
0x7d: {  	_ =	shalt  }
0x7e: {  	_ =	shalt  }
0x7f: {  	_ =	shalt  }
0x80: {  	_ =	shalt  }
0x81: {  	_ =	shalt  }
0x82: {  	_ =	shalt  }
0x83: {  	_ =	shalt  }
0x84: {  	_ =	shalt  }
0x85: {  	_ =	shalt  }
0x86: {  	_ =	shalt  }
0x87: {  	_ =	shalt  }
.Lfunc_end0:
.L_simem_size_0:
called_computation_lowered:
.L_overlay_start_0:
0x88: {  	s2 =	sld [smem:$0x3FD9]  }
0x89: {  	s3 =	sld [smem:$0x3FFE];
	_ =	sdelay $0x1  }
0x8a: {  	s1 =	srdreg.scid  }
0x8b: {  	s0 =	sand.u32 $0x1, s1  }
0x8c: {  	s17 =	sshll.u32 s0, $0xA;
	s2 =	sadd.s32 s3, s2  }
0x8d: {  	s2 =	sadd.s32 s2, s17  }
0x8e: {  	[smem:$0x3FBE] =	sst s2  }
0x8f: {  	_ = 	snop  }
0x90: {  	s2 =	sld [smem:$0x3FC9];
	(tm) =	ssettm $0x1  }
0x91: {  	s18 =	sld [smem:$0x3FFB];
	_ =	sdelay $0x3  }
0x92: {  	_ =	strace s18  }
0x93: {  	s3 =	sld [smem:$0x3FFC];
	_ =	sdelay $0x3  }
0x94: {  	_ =	strace s3  }
0x95: {  	s3 =	sld [smem:$0x3FFD];
	_ =	sdelay $0x3  }
0x96: {  	_ =	strace s3  }
0x97: {  	_ =	strace $0x8FFFFFFF  }
0x98: {  	s19 =	sld [smem:$0x3FDB];
	_ =	sdelay $0x1  }
0x99: {  	s4 =	simm.s32 $_scs_section_size  }
0x9a: {  	s5 =	simm.s32 $_size__tile_overlayer_lowered;
	s6 =	simm.s32 $_tile_overlayer_lowered  }
0x9b: {  	s22 =	simm.s32 $0x1BFF;
	s21 =	sshll.u32 s6, $0x1;
	s3 =	sadd.s32 s4, s19  }
0x9c: {  	s7 =	simm.s32 $0x0;
	s20 =	sshll.u32 s5, $0x1;
	s5 =	sadd.s32 s21, s3  }
0x9d: {  	[timem:s7], [sflag:s22] =	dma.local [hbm:s5], s20  }
0x9e: {  	_ =	swait.ge [sflag:s22], s20  }
0x9f: {  	s4 =	ssub.s32 $0x0, s20;
	[sflag:s22] =	ssyncset.done $0x0  }
0xa0: {  	[sflag:s22] =	ssyncadd.s32 s4;
	_ =	sdelay $0x1  }
0xa1: {  	s23 =	simm.s32 $0x1B8B  }
0xa2: {  	_ =	swait.ge [sflag:s23], $0x1  }
0xa3: {  	[sflag:s23] =	ssyncset.done $0x0  }
0xa4: {  	s25 =	simm.s32 $0x1B8E;
	s24 =	sld [smem:$0x3FFE];
	[sflag:s23] =	ssyncadd.s32 $0xFFFFFFFF  }
0xa5: {  	s26 =	simm.s32 $execute0_lowered;
	[smem:$0x3FD2] =	sst s25  }
0xa6: {  	s5 =	sshll.u32 s26, $0x1;
	_ =	strace $0x80000046;
	[dreg:$0x1] =	wrdreg $0xFFFFFFFF  }
0xa7: {  	s28 =	simm.s32 $_size_execute0_lowered;
	s3 =	sadd.s32 s3, s5;
	[dreg:$0x0] =	wrdreg $0x0  }
0xa8: {  	s5 =	sshll.u32 s28, $0x1;
	[dreg:$0x2] =	wrdreg s3  }
0xa9: {  	[dreg:$0x3] =	wrdreg s5  }
0xaa: {  	[dreg:$0x4] =	wrdreg $0xC0  }
0xab: {  	_ =	task [dreg:s7], $0x5FFFF  }
0xac: {  	[dreg:$0x1] =	wrdreg $0xFFFFFFFF  }
0xad: {  	[dreg:$0x0] =	wrdreg $0x60  }
0xae: {  	[dreg:$0x2] =	wrdreg s24  }
0xaf: {  	[dreg:$0x3] =	wrdreg s2  }
0xb0: {  	[dreg:$0x4] =	wrdreg $0x9  }
0xb1: {  	_ =	task.clear_ibuf [dreg:s7], $0x5FFFF;
	_ =	strace $0x90000046  }
0xb2: {  	s29 =	simm.s32 $0x9;
	_ =	strace $0x80000048  }
0xb3: {  	_ =	swait.ge [sflag:s29], $0x1  }
0xb4: {  	[sflag:s29] =	ssyncadd.s32 $0xFFFFFFFF  }
0xb5: {  	_ =	strace $0x90000048  }
0xb6: {  	_ =	sfence  }
0xb7: {  	s30 =	sld [smem:$0x0];
	_ =	sdelay $0x2  }
0xb8: {  	s31 =	sshll.u32 s1, $0xD;
	s1 =	sshrl.u32 s1, $0x2  }
0xb9: {  	s3 =	sand.u32 $0x4000, s31;
	s1 =	sadd.s32 s1, s30  }
0xba: {  	s0 =	sor.u32 s3, s0;
	s1 =	sshll.u32 s1, $0x11  }
0xbb: {  	s0 =	sor.u32 s1, s0  }
0xbc: {  	s0 =	sadd.s32 $0x8F2B, s0  }
0xbd: {  	[sflag:s0] =	ssyncadd.remote.s32 $0x1  }
0xbe: {  	_ =	sfence.sel $0xFFFF  }
0xbf: {  	[dreg:$0x0] =	wrdreg $0xFFFFFFFF;
	(pc) =	sbr.abs _section_cstart, $3  }
0xc0: {  	[dreg:$0x1] =	wrdreg $0xFFFFFFFF  }
0xc1: {  	_ =	task.clear_ibuf [dreg:s7], $0x2FFFF;
	_ =	strace $0x9FFFFFFF  }
0xc2: {  	(tm) =	ssettm $0x7FFFFFFF  }
0xc3: {  	_ =	shalt  }
tec
execute0_lowered:
.L_overlay_start_1:
0x0: {  	(tag) =	ssettag $0x1  }
0x1: {  	s1 =	srdreg.scid;
	s9 =	rddreg [dreg:$0x0]  }
0x2: {  	s0 =	stileid.u32;
	s3 =	rddreg [dreg:$0x1]  }
0x3: {  	s2 =	simm.s32 $0x0;
	s7 =	simm.s32 $0x80;
	s6 =	sand.u32 $0x1, s1  }
0x4: {  	s4 =	sshll.u32 s0, $0x6;
	s1 =	rddreg [dreg:$0x2];
	s5 =	sshll.u32 s6, $0x5  }
0x5: {  	s8 =	simm.s32 $0x1;
	[smem:$0x7FF] =	sst s2;
	s10 =	sor.u32 s5, s4  }
0x6: {  	_ =	strace $0x80000047;
	s11 =	ssub.s32 $0x2, s6;
	s4 =	sshrl.u32 s10, $0x3  }
0x7: {  	s6 =	simm.s32 $0x20;
	s4 =	sadd.s32 s3, s4;
	s3 =	simm.s32 $0x2  }
0x8: {  	[tilespmem:s2], [sflag:$0x2] =	stream.linear.gather [hbm4b:s4+s2], $0x20, $0x38;
	[tilespmem:$0x1080] =	vst v63  }
0x9: {  	s5 =	sadd.s32 $0x800, s9;
	s12 =	sshrl.u32 s11, $0x1;
	_ =	swait.ge [sflag:s3], $0x20  }
0xa: {  	s10 =	sshll.u32 s10, $0x4;
	s31 =	ssub.s32 s11, s12;
	[sflag:s3] =	ssyncset.done $0x0  }
0xb: {  	s9 =	sadd.s32 s10, s9;
	s10 =	smax.u32 s31, $0x1;
	[sflag:s3] =	ssyncadd.s32 $0xFFFFFFE0  }
0xc: {  	[tilespmem:s7], [sflag:$0x1] =	stream.indirect.gather [hbm4b:s5+s6], $0x80, s2, s6, $0xb8;
	[tilespmem:$0x1080] =	vst v63  }
0xd: {  	p0 =	sne.s32 s10, $0x1;
	_ =	swait.ge [sflag:s8], $0x1000  }
.Ltmp0:
0xe: {  	[sflag:s8] =	ssyncset.done $0x0;
	(pc) =	sbr.rel @!p0 .LBB2_2-.Ltmp0, $4  }
0xf: {  	s9 =	sadd.s32 $0x2200, s9;
	[sflag:s8] =	ssyncadd.s32 $0xFFFFF000  }
0x10: {  	[hbm4b:s9+s2] =	stream.linear.scatter [tilespmem:s7], [sflag:$0x2], $0x1000, $0x38;
	[tilespmem:$0x1080] =	vst v63  }
0x11: {  	_ =	swait.ge [sflag:s3], $0x1000  }
0x12: {  	s10 =	sadd.s32 $0xFFFFFFFF, s10;
	[sflag:s3] =	ssyncset.done $0x0  }
.LBB2_1:
0x13: {  	p0 =	sne.s32 s10, $0x1;
	s10 =	sadd.s32 $0xFFFFFFFF, s10;
	[sflag:s3] =	ssyncadd.s32 $0xFFFFF000  }
0x14: {  	[tilespmem:s2], [sflag:$0x2] =	stream.linear.gather [hbm4b:s4+s2], $0x20, $0x38;
	[tilespmem:$0x1080] =	vst v63  }
0x15: {  	_ =	swait.ge [sflag:s3], $0x20  }
0x16: {  	[sflag:s3] =	ssyncset.done $0x0  }
0x17: {  	[sflag:s3] =	ssyncadd.s32 $0xFFFFFFE0  }
0x18: {  	[tilespmem:s7], [sflag:$0x1] =	stream.indirect.gather [hbm4b:s5+s6], $0x80, s2, s6, $0xb8;
	[tilespmem:$0x1080] =	vst v63  }
0x19: {  	_ =	swait.ge [sflag:s8], $0x1000  }
.Ltmp1:
0x1a: {  	[sflag:s8] =	ssyncset.done $0x0;
	(pc) =	sbr.rel @p0 .LBB2_1-.Ltmp1, $4  }
0x1b: {  	[sflag:s8] =	ssyncadd.s32 $0xFFFFF000  }
0x1c: {  	[hbm4b:s9+s2] =	stream.linear.scatter [tilespmem:s7], [sflag:$0x2], $0x1000, $0x38;
	[tilespmem:$0x1080] =	vst v63  }
0x1d: {  	_ =	swait.ge [sflag:s3], $0x1000  }
0x1e: {  	[sflag:s3] =	ssyncset.done $0x0  }
.LBB2_2:
0x1f: {  	[sflag:s3] =	ssyncadd.s32 $0xFFFFF000  }
0x20: {  	_ =	sfence.sel $0x180000  }
0x21: {  	[bflag:$0x0] =	sbarrier.arrive $0xFFFF  }
0x22: {  	p0 =	sne.s32 s0, $0x0;
	_ =	strace $0x90000047  }
0x23: {  	s0 =	sadd.s32 @!p0 $0x100000, s1;
	[bflag:$0x2] =	sbarrier.arrive $0xFFFF  }
0x24: {  	[sflag:s0] =	ssyncadd.tile.s32 @!p0 $0x1;
	_ =	shalt  }
.Lfunc_end2:
_tile_overlayer_lowered:
.L_overlay_start_2:
0x25: {  	(tag) =	ssettag $0x2  }
0x26: {  	s0 =	rddreg [dreg:$0x0];
	s2 =	stileid.u32  }
0x27: {  	s1 =	rddreg [dreg:$0x1];
	p0 =	sne.s32 s2, $0x0  }
0x28: {  	s3 =	rddreg [dreg:$0x2];
	[bflag:$0x3] =	sbarrier.arrive $0xFFFF;
	s2 =	simm.s32 @!p0 $0x1C02  }
0x29: {  	[timem:s3], [sflag:s2] =	dma.local @!p0 [hbm:s0], s1  }
0x2a: {  	s0 =	simm.s32 @!p0 $0x2  }
0x2b: {  	_ =	swait.ge @!p0 [sflag:s0], s1  }
0x2c: {  	s1 =	ssub.s32 @!p0 $0x0, s1;
	[sflag:s0] =	ssyncset.done @!p0 $0x0  }
0x2d: {  	[sflag:s0] =	ssyncadd.s32 @!p0 s1  }
0x2e: {  	[bflag:$0x3] =	sbarrier.arrive $0xFFFF  }
0x2f: {  	_ =	shalt  }

</sc_bundles>
